<compile_context>
chip_gen: v7x
topology: tpu7x:2x2x1
jax: 0.10.2.dev20260603
libtpu: 0.0.44.dev20260713+nightly
codegen_flags: <defaults>
</compile_context>

<pallas_src>
import functools

import jax
import jax.numpy as jnp
from jax import lax
from jax.experimental import pallas as pl
from jax.experimental.pallas import tpu as pltpu
from jax.experimental.pallas import tpu_sc as plsc

NC = 2
NS = 16
NW = NC * NS

NBUF = 8


@functools.lru_cache(maxsize=None)
def _make_lookup(batch, k, vocab2, dim):
    rows_per_w = batch // NW
    assert rows_per_w % NBUF == 0

    mesh = plsc.VectorSubcoreMesh(core_axis_name="c", subcore_axis_name="s")

    @functools.partial(
        pl.kernel,
        mesh=mesh,
        compiler_params=pltpu.CompilerParams(use_tc_tiling_on_sc=False),
        out_type=jax.ShapeDtypeStruct((batch, 24, 128), jnp.float32),
        scratch_types=[
            pltpu.VMEM((rows_per_w, k), jnp.int32),
            pltpu.VMEM((NBUF, k, dim), jnp.float32),
            pltpu.SemaphoreType.DMA((NBUF,)),
            pltpu.SemaphoreType.DMA((NBUF,)),
        ],
    )
    def lookup(x_hbm, w_hbm, out_hbm, idx_v, rows_v, gsem, ssem):
        wid = lax.axis_index("s") * NC + lax.axis_index("c")
        row0 = wid * rows_per_w

        pltpu.sync_copy(x_hbm.at[pl.ds(row0, rows_per_w)], idx_v)

        def gather(r, b):
            return pltpu.make_async_copy(
                w_hbm.at[idx_v.at[r]], rows_v.at[b], gsem.at[b])

        def scatter(r, b):
            return pltpu.make_async_copy(
                rows_v.at[b],
                out_hbm.at[row0 + r, pl.ds(0, k), pl.ds(0, dim)],
                ssem.at[b])

        for b in range(NBUF):
            gather(b, b).start()

        def group(i, _):
            i0 = i * NBUF
            for b in range(NBUF):
                r = i0 + b
                gather(r, b).wait()
                scatter(r, b).start()
                f = r + NBUF

                @pl.when(f < rows_per_w)
                def _():
                    scatter(r, b).wait()
                    gather(f, b).start()
            return 0

        lax.fori_loop(0, rows_per_w // NBUF, group, 0)

        for b in range(NBUF):
            scatter(rows_per_w - NBUF + b, b).wait()

    return lookup


def kernel(x, weight):
    batch, k = x.shape
    vocab, dim = weight.shape
    wp = jnp.pad(weight, ((0, 0), (0, dim))).reshape(2 * vocab, dim)
    x2 = x.astype(jnp.int32) * 2
    out = _make_lookup(batch, k, 2 * vocab, dim)(x2, wp)
    return out[:, :k, :dim]

# --- scband reference (transcript-rebuilt; emitter-appended) ---
"""Pipeline reference for scband-tpembedding-44169443672864 (READ-ONLY COPY).

The authoritative reference and input builder live on the scoring server;
editing this copy changes nothing except your own understanding.
"""

import jax, jax.numpy as jnp
import numpy as np

NUM_EMBEDDINGS = 1000000
EMBEDDING_DIM = 64
TP_SIZE = 1
TP_RANK = 0
START = NUM_EMBEDDINGS // TP_SIZE * TP_RANK
END = NUM_EMBEDDINGS // TP_SIZE * (TP_RANK + 1)


def setup_inputs(seed: int = 0) -> dict:
    key = jax.random.key(seed)
    k1, k2 = jax.random.split(key)
    x = jax.random.randint(k1, (16384, 20), 0, NUM_EMBEDDINGS)
    # local weight shard: rows [START, END) of the full table
    weight = jax.random.normal(k2, (NUM_EMBEDDINGS // TP_SIZE, EMBEDDING_DIM), dtype=jnp.float32)
    return {"x": x, "weight": weight}


def reference(x, weight):
    # mask of indices owned by this TP rank
    mask = (x >= START) & (x < END)
    # shift owned indices into local range, clamp others to 0 (dummy row)
    x_local = jnp.where(mask, x - START, 0)
    # embedding gather on the local shard
    out = jnp.take(weight, x_local, axis=0)
    # zero out rows this rank does not own
    out = jnp.where(mask[..., None], out, 0.0)
    # Reduce.apply = all-reduce sum across TP ranks; identity when tp_size == 1
    return out

if __name__ == "__main__":
    import jax
    _d = setup_inputs()
    print(jax.jit(kernel)(*tuple(_d.values())))

</pallas_src>

<mosaic_0001>
#map = affine_map<(d0, d1) -> (0, 0)>
#map1 = affine_map<(d0, d1) -> (0, 0, 0)>
module attributes {stable_mosaic.version = 14 : i64} {
  func.func @lookup(%arg0: i32, %arg1: i32, %arg2: memref<16384x20xi32, #tpu.memory_space<hbm>>, %arg3: memref<2000000x64xf32, #tpu.memory_space<hbm>>, %arg4: memref<16384x24x128xf32, #tpu.memory_space<hbm>>, %arg5: memref<512x20xi32, #tpu.memory_space<vmem>>, %arg6: memref<8x20x64xf32, #tpu.memory_space<vmem>>, %arg7: memref<8x!tpu.dma_semaphore, #tpu.memory_space<semaphore_mem>>, %arg8: memref<8x!tpu.dma_semaphore, #tpu.memory_space<semaphore_mem>>) attributes {dimension_semantics = [#tpu.dimension_semantics<core_parallel>, #tpu.dimension_semantics<subcore_parallel>], iteration_bounds = array<i64: 2, 16>, scalar_prefetch = 0 : i64, scratch_operands = 4 : i64, tpu.core_type = #tpu.core_type<sc_vector_subcore>, window_params = [{transform_indices = #map}, {transform_indices = #map}, {transform_indices = #map1}]} {
    %mul3A = arith.constant 2 : i32
    %mul3A_0 = arith.muli %arg1, %mul3A : i32
    %add3A = arith.addi %mul3A_0, %arg0 : i32
    %mul3A_1 = arith.constant 512 : i32
    %mul3A_2 = arith.muli %add3A, %mul3A_1 : i32
    "tpu.region"() ({
      %run_scoped3A = tpu.sem_alloc : memref<!tpu.dma_semaphore, #tpu.memory_space<semaphore_mem>>
      %dma_start3A_303 = arith.constant 0 : i32
      %dma_start3A_304 = tpu.memref_slice %arg2[%mul3A_2, %dma_start3A_303] : memref<16384x20xi32, #tpu.memory_space<hbm>> -> memref<512x20xi32, #tpu.memory_space<hbm>>
      %dma_start3A_305 = arith.constant 0 : i32
      %dma_start3A_306 = tpu.memref_slice %arg2[%mul3A_2, %dma_start3A_305] : memref<16384x20xi32, #tpu.memory_space<hbm>> -> memref<512x20xi32, #tpu.memory_space<hbm>>
      tpu.enqueue_dma source(%dma_start3A_306 : memref<512x20xi32, #tpu.memory_space<hbm>>) target(%arg5 : memref<512x20xi32, #tpu.memory_space<vmem>>) target_semaphore(%run_scoped3A : memref<!tpu.dma_semaphore, #tpu.memory_space<semaphore_mem>>)
      %dma_wait3A_307 = arith.constant 0 : i32
      %dma_wait3A_308 = tpu.memref_slice %arg2[%mul3A_2, %dma_wait3A_307] : memref<16384x20xi32, #tpu.memory_space<hbm>> -> memref<512x20xi32, #tpu.memory_space<hbm>>
      %dma_wait3A_309 = arith.constant 0 : i32
      %dma_wait3A_310 = tpu.memref_slice %arg2[%mul3A_2, %dma_wait3A_309] : memref<16384x20xi32, #tpu.memory_space<hbm>> -> memref<512x20xi32, #tpu.memory_space<hbm>>
      tpu.wait_dma2 semaphore(%run_scoped3A : memref<!tpu.dma_semaphore, #tpu.memory_space<semaphore_mem>>) src(%dma_wait3A_310 : memref<512x20xi32, #tpu.memory_space<hbm>>) dst(%arg5 : memref<512x20xi32, #tpu.memory_space<vmem>>)
      tpu.yield
    }) : () -> ()
    %dma_start3A = arith.constant 0 : i32
    %dma_start3A_3 = arith.constant 0 : i32
    %dma_start3A_4 = arith.constant 0 : i32
    %dma_start3A_5 = arith.constant 0 : i32
    %dma_start3A_6 = arith.constant 0 : i32
    %dma_start3A_7 = tpu.memref_slice %arg6[%dma_start3A_3, %dma_start3A_5, %dma_start3A_6] : memref<8x20x64xf32, #tpu.memory_space<vmem>> -> memref<1x20x64xf32, #tpu.memory_space<vmem>>
    %dma_start3A_8 = tpu.memref_squeeze %dma_start3A_7 : memref<1x20x64xf32, #tpu.memory_space<vmem>> -> memref<20x64xf32, #tpu.memory_space<vmem>>
    %dma_start3A_9 = arith.constant 0 : i32
    %dma_start3A_10 = tpu.memref_slice %arg5[%dma_start3A, %dma_start3A_9] : memref<512x20xi32, #tpu.memory_space<vmem>> -> memref<1x20xi32, #tpu.memory_space<vmem>>
    %dma_start3A_11 = tpu.memref_squeeze %dma_start3A_10 : memref<1x20xi32, #tpu.memory_space<vmem>> -> memref<20xi32, #tpu.memory_space<vmem>>
    %dma_start3A_12 = arith.constant 0 : i32
    %dma_start3A_13 = arith.constant 0 : i32
    %dma_start3A_14 = tpu.memref_slice %arg3[%dma_start3A_12, %dma_start3A_13] : memref<2000000x64xf32, #tpu.memory_space<hbm>> -> memref<2000000x64xf32, #tpu.memory_space<hbm>>
    %dma_start3A_15 = tpu.memref_slice %arg7[%dma_start3A_4] : memref<8x!tpu.dma_semaphore, #tpu.memory_space<semaphore_mem>> -> memref<1x!tpu.dma_semaphore, #tpu.memory_space<semaphore_mem>>
    %dma_start3A_16 = tpu.memref_squeeze %dma_start3A_15 : memref<1x!tpu.dma_semaphore, #tpu.memory_space<semaphore_mem>> -> memref<!tpu.dma_semaphore, #tpu.memory_space<semaphore_mem>>
    tpu.enqueue_indirect_dma source(%dma_start3A_14 : memref<2000000x64xf32, #tpu.memory_space<hbm>>) target(%dma_start3A_8 : memref<20x64xf32, #tpu.memory_space<vmem>>) offsets(%dma_start3A_11 : memref<20xi32, #tpu.memory_space<vmem>>) semaphore(%dma_start3A_16 : memref<!tpu.dma_semaphore, #tpu.memory_space<semaphore_mem>>)
    %dma_start3A_17 = arith.constant 1 : i32
    %dma_start3A_18 = arith.constant 1 : i32
    %dma_start3A_19 = arith.constant 1 : i32
    %dma_start3A_20 = arith.constant 0 : i32
    %dma_start3A_21 = arith.constant 0 : i32
    %dma_start3A_22 = tpu.memref_slice %arg6[%dma_start3A_18, %dma_start3A_20, %dma_start3A_21] : memref<8x20x64xf32, #tpu.memory_space<vmem>> -> memref<1x20x64xf32, #tpu.memory_space<vmem>>
    %dma_start3A_23 = tpu.memref_squeeze %dma_start3A_22 : memref<1x20x64xf32, #tpu.memory_space<vmem>> -> memref<20x64xf32, #tpu.memory_space<vmem>>
    %dma_start3A_24 = arith.constant 0 : i32
    %dma_start3A_25 = tpu.memref_slice %arg5[%dma_start3A_17, %dma_start3A_24] : memref<512x20xi32, #tpu.memory_space<vmem>> -> memref<1x20xi32, #tpu.memory_space<vmem>>
    %dma_start3A_26 = tpu.memref_squeeze %dma_start3A_25 : memref<1x20xi32, #tpu.memory_space<vmem>> -> memref<20xi32, #tpu.memory_space<vmem>>
    %dma_start3A_27 = arith.constant 0 : i32
    %dma_start3A_28 = arith.constant 0 : i32
    %dma_start3A_29 = tpu.memref_slice %arg3[%dma_start3A_27, %dma_start3A_28] : memref<2000000x64xf32, #tpu.memory_space<hbm>> -> memref<2000000x64xf32, #tpu.memory_space<hbm>>
    %dma_start3A_30 = tpu.memref_slice %arg7[%dma_start3A_19] : memref<8x!tpu.dma_semaphore, #tpu.memory_space<semaphore_mem>> -> memref<1x!tpu.dma_semaphore, #tpu.memory_space<semaphore_mem>>
    %dma_start3A_31 = tpu.memref_squeeze %dma_start3A_30 : memref<1x!tpu.dma_semaphore, #tpu.memory_space<semaphore_mem>> -> memref<!tpu.dma_semaphore, #tpu.memory_space<semaphore_mem>>
    tpu.enqueue_indirect_dma source(%dma_start3A_29 : memref<2000000x64xf32, #tpu.memory_space<hbm>>) target(%dma_start3A_23 : memref<20x64xf32, #tpu.memory_space<vmem>>) offsets(%dma_start3A_26 : memref<20xi32, #tpu.memory_space<vmem>>) semaphore(%dma_start3A_31 : memref<!tpu.dma_semaphore, #tpu.memory_space<semaphore_mem>>)
    %dma_start3A_32 = arith.constant 2 : i32
    %dma_start3A_33 = arith.constant 2 : i32
    %dma_start3A_34 = arith.constant 2 : i32
    %dma_start3A_35 = arith.constant 0 : i32
    %dma_start3A_36 = arith.constant 0 : i32
    %dma_start3A_37 = tpu.memref_slice %arg6[%dma_start3A_33, %dma_start3A_35, %dma_start3A_36] : memref<8x20x64xf32, #tpu.memory_space<vmem>> -> memref<1x20x64xf32, #tpu.memory_space<vmem>>
    %dma_start3A_38 = tpu.memref_squeeze %dma_start3A_37 : memref<1x20x64xf32, #tpu.memory_space<vmem>> -> memref<20x64xf32, #tpu.memory_space<vmem>>
    %dma_start3A_39 = arith.constant 0 : i32
    %dma_start3A_40 = tpu.memref_slice %arg5[%dma_start3A_32, %dma_start3A_39] : memref<512x20xi32, #tpu.memory_space<vmem>> -> memref<1x20xi32, #tpu.memory_space<vmem>>
    %dma_start3A_41 = tpu.memref_squeeze %dma_start3A_40 : memref<1x20xi32, #tpu.memory_space<vmem>> -> memref<20xi32, #tpu.memory_space<vmem>>
    %dma_start3A_42 = arith.constant 0 : i32
    %dma_start3A_43 = arith.constant 0 : i32
    %dma_start3A_44 = tpu.memref_slice %arg3[%dma_start3A_42, %dma_start3A_43] : memref<2000000x64xf32, #tpu.memory_space<hbm>> -> memref<2000000x64xf32, #tpu.memory_space<hbm>>
    %dma_start3A_45 = tpu.memref_slice %arg7[%dma_start3A_34] : memref<8x!tpu.dma_semaphore, #tpu.memory_space<semaphore_mem>> -> memref<1x!tpu.dma_semaphore, #tpu.memory_space<semaphore_mem>>
    %dma_start3A_46 = tpu.memref_squeeze %dma_start3A_45 : memref<1x!tpu.dma_semaphore, #tpu.memory_space<semaphore_mem>> -> memref<!tpu.dma_semaphore, #tpu.memory_space<semaphore_mem>>
    tpu.enqueue_indirect_dma source(%dma_start3A_44 : memref<2000000x64xf32, #tpu.memory_space<hbm>>) target(%dma_start3A_38 : memref<20x64xf32, #tpu.memory_space<vmem>>) offsets(%dma_start3A_41 : memref<20xi32, #tpu.memory_space<vmem>>) semaphore(%dma_start3A_46 : memref<!tpu.dma_semaphore, #tpu.memory_space<semaphore_mem>>)
    %dma_start3A_47 = arith.constant 3 : i32
    %dma_start3A_48 = arith.constant 3 : i32
    %dma_start3A_49 = arith.constant 3 : i32
    %dma_start3A_50 = arith.constant 0 : i32
    %dma_start3A_51 = arith.constant 0 : i32
    %dma_start3A_52 = tpu.memref_slice %arg6[%dma_start3A_48, %dma_start3A_50, %dma_start3A_51] : memref<8x20x64xf32, #tpu.memory_space<vmem>> -> memref<1x20x64xf32, #tpu.memory_space<vmem>>
    %dma_start3A_53 = tpu.memref_squeeze %dma_start3A_52 : memref<1x20x64xf32, #tpu.memory_space<vmem>> -> memref<20x64xf32, #tpu.memory_space<vmem>>
    %dma_start3A_54 = arith.constant 0 : i32
    %dma_start3A_55 = tpu.memref_slice %arg5[%dma_start3A_47, %dma_start3A_54] : memref<512x20xi32, #tpu.memory_space<vmem>> -> memref<1x20xi32, #tpu.memory_space<vmem>>
    %dma_start3A_56 = tpu.memref_squeeze %dma_start3A_55 : memref<1x20xi32, #tpu.memory_space<vmem>> -> memref<20xi32, #tpu.memory_space<vmem>>
    %dma_start3A_57 = arith.constant 0 : i32
    %dma_start3A_58 = arith.constant 0 : i32
    %dma_start3A_59 = tpu.memref_slice %arg3[%dma_start3A_57, %dma_start3A_58] : memref<2000000x64xf32, #tpu.memory_space<hbm>> -> memref<2000000x64xf32, #tpu.memory_space<hbm>>
    %dma_start3A_60 = tpu.memref_slice %arg7[%dma_start3A_49] : memref<8x!tpu.dma_semaphore, #tpu.memory_space<semaphore_mem>> -> memref<1x!tpu.dma_semaphore, #tpu.memory_space<semaphore_mem>>
    %dma_start3A_61 = tpu.memref_squeeze %dma_start3A_60 : memref<1x!tpu.dma_semaphore, #tpu.memory_space<semaphore_mem>> -> memref<!tpu.dma_semaphore, #tpu.memory_space<semaphore_mem>>
    tpu.enqueue_indirect_dma source(%dma_start3A_59 : memref<2000000x64xf32, #tpu.memory_space<hbm>>) target(%dma_start3A_53 : memref<20x64xf32, #tpu.memory_space<vmem>>) offsets(%dma_start3A_56 : memref<20xi32, #tpu.memory_space<vmem>>) semaphore(%dma_start3A_61 : memref<!tpu.dma_semaphore, #tpu.memory_space<semaphore_mem>>)
    %dma_start3A_62 = arith.constant 4 : i32
    %dma_start3A_63 = arith.constant 4 : i32
    %dma_start3A_64 = arith.constant 4 : i32
    %dma_start3A_65 = arith.constant 0 : i32
    %dma_start3A_66 = arith.constant 0 : i32
    %dma_start3A_67 = tpu.memref_slice %arg6[%dma_start3A_63, %dma_start3A_65, %dma_start3A_66] : memref<8x20x64xf32, #tpu.memory_space<vmem>> -> memref<1x20x64xf32, #tpu.memory_space<vmem>>
    %dma_start3A_68 = tpu.memref_squeeze %dma_start3A_67 : memref<1x20x64xf32, #tpu.memory_space<vmem>> -> memref<20x64xf32, #tpu.memory_space<vmem>>
    %dma_start3A_69 = arith.constant 0 : i32
    %dma_start3A_70 = tpu.memref_slice %arg5[%dma_start3A_62, %dma_start3A_69] : memref<512x20xi32, #tpu.memory_space<vmem>> -> memref<1x20xi32, #tpu.memory_space<vmem>>
    %dma_start3A_71 = tpu.memref_squeeze %dma_start3A_70 : memref<1x20xi32, #tpu.memory_space<vmem>> -> memref<20xi32, #tpu.memory_space<vmem>>
    %dma_start3A_72 = arith.constant 0 : i32
    %dma_start3A_73 = arith.constant 0 : i32
    %dma_start3A_74 = tpu.memref_slice %arg3[%dma_start3A_72, %dma_start3A_73] : memref<2000000x64xf32, #tpu.memory_space<hbm>> -> memref<2000000x64xf32, #tpu.memory_space<hbm>>
    %dma_start3A_75 = tpu.memref_slice %arg7[%dma_start3A_64] : memref<8x!tpu.dma_semaphore, #tpu.memory_space<semaphore_mem>> -> memref<1x!tpu.dma_semaphore, #tpu.memory_space<semaphore_mem>>
    %dma_start3A_76 = tpu.memref_squeeze %dma_start3A_75 : memref<1x!tpu.dma_semaphore, #tpu.memory_space<semaphore_mem>> -> memref<!tpu.dma_semaphore, #tpu.memory_space<semaphore_mem>>
    tpu.enqueue_indirect_dma source(%dma_start3A_74 : memref<2000000x64xf32, #tpu.memory_space<hbm>>) target(%dma_start3A_68 : memref<20x64xf32, #tpu.memory_space<vmem>>) offsets(%dma_start3A_71 : memref<20xi32, #tpu.memory_space<vmem>>) semaphore(%dma_start3A_76 : memref<!tpu.dma_semaphore, #tpu.memory_space<semaphore_mem>>)
    %dma_start3A_77 = arith.constant 5 : i32
    %dma_start3A_78 = arith.constant 5 : i32
    %dma_start3A_79 = arith.constant 5 : i32
    %dma_start3A_80 = arith.constant 0 : i32
    %dma_start3A_81 = arith.constant 0 : i32
    %dma_start3A_82 = tpu.memref_slice %arg6[%dma_start3A_78, %dma_start3A_80, %dma_start3A_81] : memref<8x20x64xf32, #tpu.memory_space<vmem>> -> memref<1x20x64xf32, #tpu.memory_space<vmem>>
    %dma_start3A_83 = tpu.memref_squeeze %dma_start3A_82 : memref<1x20x64xf32, #tpu.memory_space<vmem>> -> memref<20x64xf32, #tpu.memory_space<vmem>>
    %dma_start3A_84 = arith.constant 0 : i32
    %dma_start3A_85 = tpu.memref_slice %arg5[%dma_start3A_77, %dma_start3A_84] : memref<512x20xi32, #tpu.memory_space<vmem>> -> memref<1x20xi32, #tpu.memory_space<vmem>>
    %dma_start3A_86 = tpu.memref_squeeze %dma_start3A_85 : memref<1x20xi32, #tpu.memory_space<vmem>> -> memref<20xi32, #tpu.memory_space<vmem>>
    %dma_start3A_87 = arith.constant 0 : i32
    %dma_start3A_88 = arith.constant 0 : i32
    %dma_start3A_89 = tpu.memref_slice %arg3[%dma_start3A_87, %dma_start3A_88] : memref<2000000x64xf32, #tpu.memory_space<hbm>> -> memref<2000000x64xf32, #tpu.memory_space<hbm>>
    %dma_start3A_90 = tpu.memref_slice %arg7[%dma_start3A_79] : memref<8x!tpu.dma_semaphore, #tpu.memory_space<semaphore_mem>> -> memref<1x!tpu.dma_semaphore, #tpu.memory_space<semaphore_mem>>
    %dma_start3A_91 = tpu.memref_squeeze %dma_start3A_90 : memref<1x!tpu.dma_semaphore, #tpu.memory_space<semaphore_mem>> -> memref<!tpu.dma_semaphore, #tpu.memory_space<semaphore_mem>>
    tpu.enqueue_indirect_dma source(%dma_start3A_89 : memref<2000000x64xf32, #tpu.memory_space<hbm>>) target(%dma_start3A_83 : memref<20x64xf32, #tpu.memory_space<vmem>>) offsets(%dma_start3A_86 : memref<20xi32, #tpu.memory_space<vmem>>) semaphore(%dma_start3A_91 : memref<!tpu.dma_semaphore, #tpu.memory_space<semaphore_mem>>)
    %dma_start3A_92 = arith.constant 6 : i32
    %dma_start3A_93 = arith.constant 6 : i32
    %dma_start3A_94 = arith.constant 6 : i32
    %dma_start3A_95 = arith.constant 0 : i32
    %dma_start3A_96 = arith.constant 0 : i32
    %dma_start3A_97 = tpu.memref_slice %arg6[%dma_start3A_93, %dma_start3A_95, %dma_start3A_96] : memref<8x20x64xf32, #tpu.memory_space<vmem>> -> memref<1x20x64xf32, #tpu.memory_space<vmem>>
    %dma_start3A_98 = tpu.memref_squeeze %dma_start3A_97 : memref<1x20x64xf32, #tpu.memory_space<vmem>> -> memref<20x64xf32, #tpu.memory_space<vmem>>
    %dma_start3A_99 = arith.constant 0 : i32
    %dma_start3A_100 = tpu.memref_slice %arg5[%dma_start3A_92, %dma_start3A_99] : memref<512x20xi32, #tpu.memory_space<vmem>> -> memref<1x20xi32, #tpu.memory_space<vmem>>
    %dma_start3A_101 = tpu.memref_squeeze %dma_start3A_100 : memref<1x20xi32, #tpu.memory_space<vmem>> -> memref<20xi32, #tpu.memory_space<vmem>>
    %dma_start3A_102 = arith.constant 0 : i32
    %dma_start3A_103 = arith.constant 0 : i32
    %dma_start3A_104 = tpu.memref_slice %arg3[%dma_start3A_102, %dma_start3A_103] : memref<2000000x64xf32, #tpu.memory_space<hbm>> -> memref<2000000x64xf32, #tpu.memory_space<hbm>>
    %dma_start3A_105 = tpu.memref_slice %arg7[%dma_start3A_94] : memref<8x!tpu.dma_semaphore, #tpu.memory_space<semaphore_mem>> -> memref<1x!tpu.dma_semaphore, #tpu.memory_space<semaphore_mem>>
    %dma_start3A_106 = tpu.memref_squeeze %dma_start3A_105 : memref<1x!tpu.dma_semaphore, #tpu.memory_space<semaphore_mem>> -> memref<!tpu.dma_semaphore, #tpu.memory_space<semaphore_mem>>
    tpu.enqueue_indirect_dma source(%dma_start3A_104 : memref<2000000x64xf32, #tpu.memory_space<hbm>>) target(%dma_start3A_98 : memref<20x64xf32, #tpu.memory_space<vmem>>) offsets(%dma_start3A_101 : memref<20xi32, #tpu.memory_space<vmem>>) semaphore(%dma_start3A_106 : memref<!tpu.dma_semaphore, #tpu.memory_space<semaphore_mem>>)
    %dma_start3A_107 = arith.constant 7 : i32
    %dma_start3A_108 = arith.constant 7 : i32
    %dma_start3A_109 = arith.constant 7 : i32
    %dma_start3A_110 = arith.constant 0 : i32
    %dma_start3A_111 = arith.constant 0 : i32
    %dma_start3A_112 = tpu.memref_slice %arg6[%dma_start3A_108, %dma_start3A_110, %dma_start3A_111] : memref<8x20x64xf32, #tpu.memory_space<vmem>> -> memref<1x20x64xf32, #tpu.memory_space<vmem>>
    %dma_start3A_113 = tpu.memref_squeeze %dma_start3A_112 : memref<1x20x64xf32, #tpu.memory_space<vmem>> -> memref<20x64xf32, #tpu.memory_space<vmem>>
    %dma_start3A_114 = arith.constant 0 : i32
    %dma_start3A_115 = tpu.memref_slice %arg5[%dma_start3A_107, %dma_start3A_114] : memref<512x20xi32, #tpu.memory_space<vmem>> -> memref<1x20xi32, #tpu.memory_space<vmem>>
    %dma_start3A_116 = tpu.memref_squeeze %dma_start3A_115 : memref<1x20xi32, #tpu.memory_space<vmem>> -> memref<20xi32, #tpu.memory_space<vmem>>
    %dma_start3A_117 = arith.constant 0 : i32
    %dma_start3A_118 = arith.constant 0 : i32
    %dma_start3A_119 = tpu.memref_slice %arg3[%dma_start3A_117, %dma_start3A_118] : memref<2000000x64xf32, #tpu.memory_space<hbm>> -> memref<2000000x64xf32, #tpu.memory_space<hbm>>
    %dma_start3A_120 = tpu.memref_slice %arg7[%dma_start3A_109] : memref<8x!tpu.dma_semaphore, #tpu.memory_space<semaphore_mem>> -> memref<1x!tpu.dma_semaphore, #tpu.memory_space<semaphore_mem>>
    %dma_start3A_121 = tpu.memref_squeeze %dma_start3A_120 : memref<1x!tpu.dma_semaphore, #tpu.memory_space<semaphore_mem>> -> memref<!tpu.dma_semaphore, #tpu.memory_space<semaphore_mem>>
    tpu.enqueue_indirect_dma source(%dma_start3A_119 : memref<2000000x64xf32, #tpu.memory_space<hbm>>) target(%dma_start3A_113 : memref<20x64xf32, #tpu.memory_space<vmem>>) offsets(%dma_start3A_116 : memref<20xi32, #tpu.memory_space<vmem>>) semaphore(%dma_start3A_121 : memref<!tpu.dma_semaphore, #tpu.memory_space<semaphore_mem>>)
    %scan3A = arith.constant 0 : i32
    %scan3A_122 = arith.constant 0 : i32
    %scan3A_123 = arith.constant 64 : i32
    %scan3A_124 = arith.addi %scan3A_122, %scan3A_123 : i32
    %scan3A_125 = arith.constant 1 : i32
    %scan3A_126 = scf.for %scan3A_303 = %scan3A_122 to %scan3A_124 step %scan3A_125 iter_args(%scan3A_304 = %scan3A) -> (i32)  : i32 {
      %mul3A_305 = arith.constant 8 : i32
      %mul3A_306 = arith.muli %scan3A_303, %mul3A_305 : i32
      %add3A_307 = arith.constant 0 : i32
      %add3A_308 = arith.addi %mul3A_306, %add3A_307 : i32
      %dma_wait3A_309 = arith.constant 0 : i32
      %dma_wait3A_310 = arith.constant 0 : i32
      %dma_wait3A_311 = arith.constant 0 : i32
      %dma_wait3A_312 = arith.constant 0 : i32
      %dma_wait3A_313 = tpu.memref_slice %arg6[%dma_wait3A_309, %dma_wait3A_311, %dma_wait3A_312] : memref<8x20x64xf32, #tpu.memory_space<vmem>> -> memref<1x20x64xf32, #tpu.memory_space<vmem>>
      %dma_wait3A_314 = tpu.memref_squeeze %dma_wait3A_313 : memref<1x20x64xf32, #tpu.memory_space<vmem>> -> memref<20x64xf32, #tpu.memory_space<vmem>>
      %dma_wait3A_315 = arith.constant 0 : i32
      %dma_wait3A_316 = tpu.memref_slice %arg5[%add3A_308, %dma_wait3A_315] : memref<512x20xi32, #tpu.memory_space<vmem>> -> memref<1x20xi32, #tpu.memory_space<vmem>>
      %dma_wait3A_317 = tpu.memref_squeeze %dma_wait3A_316 : memref<1x20xi32, #tpu.memory_space<vmem>> -> memref<20xi32, #tpu.memory_space<vmem>>
      %dma_wait3A_318 = arith.constant 0 : i32
      %dma_wait3A_319 = arith.constant 0 : i32
      %dma_wait3A_320 = tpu.memref_slice %arg3[%dma_wait3A_318, %dma_wait3A_319] : memref<2000000x64xf32, #tpu.memory_space<hbm>> -> memref<2000000x64xf32, #tpu.memory_space<hbm>>
      %dma_wait3A_321 = tpu.memref_slice %arg7[%dma_wait3A_310] : memref<8x!tpu.dma_semaphore, #tpu.memory_space<semaphore_mem>> -> memref<1x!tpu.dma_semaphore, #tpu.memory_space<semaphore_mem>>
      %dma_wait3A_322 = tpu.memref_squeeze %dma_wait3A_321 : memref<1x!tpu.dma_semaphore, #tpu.memory_space<semaphore_mem>> -> memref<!tpu.dma_semaphore, #tpu.memory_space<semaphore_mem>>
      tpu.wait_indirect_dma semaphore(%dma_wait3A_322 : memref<!tpu.dma_semaphore, #tpu.memory_space<semaphore_mem>>) src(%dma_wait3A_320 : memref<2000000x64xf32, #tpu.memory_space<hbm>>) dst(%dma_wait3A_314 : memref<20x64xf32, #tpu.memory_space<vmem>>)
      %add3A_323 = arith.addi %mul3A_2, %add3A_308 : i32
      %dma_start3A_324 = arith.constant 0 : i32
      %dma_start3A_325 = arith.constant 0 : i32
      %dma_start3A_326 = arith.constant 0 : i32
      %dma_start3A_327 = arith.constant 0 : i32
      %dma_start3A_328 = tpu.memref_slice %arg6[%dma_start3A_324, %dma_start3A_326, %dma_start3A_327] : memref<8x20x64xf32, #tpu.memory_space<vmem>> -> memref<1x20x64xf32, #tpu.memory_space<vmem>>
      %dma_start3A_329 = tpu.memref_squeeze %dma_start3A_328 : memref<1x20x64xf32, #tpu.memory_space<vmem>> -> memref<20x64xf32, #tpu.memory_space<vmem>>
      %dma_start3A_330 = arith.constant 0 : i32
      %dma_start3A_331 = arith.constant 0 : i32
      %dma_start3A_332 = tpu.memref_slice %arg4[%add3A_323, %dma_start3A_330, %dma_start3A_331] : memref<16384x24x128xf32, #tpu.memory_space<hbm>> -> memref<1x20x64xf32, #tpu.memory_space<hbm>>
      %dma_start3A_333 = tpu.memref_squeeze %dma_start3A_332 : memref<1x20x64xf32, #tpu.memory_space<hbm>> -> memref<20x64xf32, #tpu.memory_space<hbm>>
      %dma_start3A_334 = tpu.memref_slice %arg8[%dma_start3A_325] : memref<8x!tpu.dma_semaphore, #tpu.memory_space<semaphore_mem>> -> memref<1x!tpu.dma_semaphore, #tpu.memory_space<semaphore_mem>>
      %dma_start3A_335 = tpu.memref_squeeze %dma_start3A_334 : memref<1x!tpu.dma_semaphore, #tpu.memory_space<semaphore_mem>> -> memref<!tpu.dma_semaphore, #tpu.memory_space<semaphore_mem>>
      %dma_start3A_336 = arith.constant 0 : i32
      %dma_start3A_337 = arith.constant 0 : i32
      %dma_start3A_338 = tpu.memref_slice %arg4[%add3A_323, %dma_start3A_336, %dma_start3A_337] : memref<16384x24x128xf32, #tpu.memory_space<hbm>> -> memref<1x20x64xf32, #tpu.memory_space<hbm>>
      %dma_start3A_339 = tpu.memref_squeeze %dma_start3A_338 : memref<1x20x64xf32, #tpu.memory_space<hbm>> -> memref<20x64xf32, #tpu.memory_space<hbm>>
      %dma_start3A_340 = arith.constant 0 : i32
      %dma_start3A_341 = arith.constant 0 : i32
      %dma_start3A_342 = tpu.memref_slice %arg6[%dma_start3A_324, %dma_start3A_340, %dma_start3A_341] : memref<8x20x64xf32, #tpu.memory_space<vmem>> -> memref<1x20x64xf32, #tpu.memory_space<vmem>>
      %dma_start3A_343 = tpu.memref_squeeze %dma_start3A_342 : memref<1x20x64xf32, #tpu.memory_space<vmem>> -> memref<20x64xf32, #tpu.memory_space<vmem>>
      tpu.enqueue_dma source(%dma_start3A_343 : memref<20x64xf32, #tpu.memory_space<vmem>>) target(%dma_start3A_339 : memref<20x64xf32, #tpu.memory_space<hbm>>) target_semaphore(%dma_start3A_335 : memref<!tpu.dma_semaphore, #tpu.memory_space<semaphore_mem>>)
      %add3A_344 = arith.constant 8 : i32
      %add3A_345 = arith.addi %add3A_308, %add3A_344 : i32
      %lt3A = arith.constant 512 : i32
      %lt3A_346 = arith.cmpi slt, %add3A_345, %lt3A : i32
      %convert_element_type3A = arith.extui %lt3A_346 : i1 to i32
      %cond3A = arith.constant 0 : i32
      %cond3A_347 = arith.cmpi ne, %convert_element_type3A, %cond3A : i32
      scf.if %cond3A_347 {
        %add3A_657 = arith.addi %mul3A_2, %add3A_308 : i32
        %dma_wait3A_658 = arith.constant 0 : i32
        %dma_wait3A_659 = arith.constant 0 : i32
        %dma_wait3A_660 = arith.constant 0 : i32
        %dma_wait3A_661 = arith.constant 0 : i32
        %dma_wait3A_662 = tpu.memref_slice %arg6[%dma_wait3A_658, %dma_wait3A_660, %dma_wait3A_661] : memref<8x20x64xf32, #tpu.memory_space<vmem>> -> memref<1x20x64xf32, #tpu.memory_space<vmem>>
        %dma_wait3A_663 = tpu.memref_squeeze %dma_wait3A_662 : memref<1x20x64xf32, #tpu.memory_space<vmem>> -> memref<20x64xf32, #tpu.memory_space<vmem>>
        %dma_wait3A_664 = arith.constant 0 : i32
        %dma_wait3A_665 = arith.constant 0 : i32
        %dma_wait3A_666 = tpu.memref_slice %arg4[%add3A_657, %dma_wait3A_664, %dma_wait3A_665] : memref<16384x24x128xf32, #tpu.memory_space<hbm>> -> memref<1x20x64xf32, #tpu.memory_space<hbm>>
        %dma_wait3A_667 = tpu.memref_squeeze %dma_wait3A_666 : memref<1x20x64xf32, #tpu.memory_space<hbm>> -> memref<20x64xf32, #tpu.memory_space<hbm>>
        %dma_wait3A_668 = tpu.memref_slice %arg8[%dma_wait3A_659] : memref<8x!tpu.dma_semaphore, #tpu.memory_space<semaphore_mem>> -> memref<1x!tpu.dma_semaphore, #tpu.memory_space<semaphore_mem>>
        %dma_wait3A_669 = tpu.memref_squeeze %dma_wait3A_668 : memref<1x!tpu.dma_semaphore, #tpu.memory_space<semaphore_mem>> -> memref<!tpu.dma_semaphore, #tpu.memory_space<semaphore_mem>>
        %dma_wait3A_670 = arith.constant 0 : i32
        %dma_wait3A_671 = arith.constant 0 : i32
        %dma_wait3A_672 = tpu.memref_slice %arg4[%add3A_657, %dma_wait3A_670, %dma_wait3A_671] : memref<16384x24x128xf32, #tpu.memory_space<hbm>> -> memref<1x20x64xf32, #tpu.memory_space<hbm>>
        %dma_wait3A_673 = tpu.memref_squeeze %dma_wait3A_672 : memref<1x20x64xf32, #tpu.memory_space<hbm>> -> memref<20x64xf32, #tpu.memory_space<hbm>>
        %dma_wait3A_674 = arith.constant 0 : i32
        %dma_wait3A_675 = arith.constant 0 : i32
        %dma_wait3A_676 = tpu.memref_slice %arg6[%dma_wait3A_658, %dma_wait3A_674, %dma_wait3A_675] : memref<8x20x64xf32, #tpu.memory_space<vmem>> -> memref<1x20x64xf32, #tpu.memory_space<vmem>>
        %dma_wait3A_677 = tpu.memref_squeeze %dma_wait3A_676 : memref<1x20x64xf32, #tpu.memory_space<vmem>> -> memref<20x64xf32, #tpu.memory_space<vmem>>
        tpu.wait_dma2 semaphore(%dma_wait3A_669 : memref<!tpu.dma_semaphore, #tpu.memory_space<semaphore_mem>>) src(%dma_wait3A_677 : memref<20x64xf32, #tpu.memory_space<vmem>>) dst(%dma_wait3A_673 : memref<20x64xf32, #tpu.memory_space<hbm>>)
        %dma_start3A_678 = arith.constant 0 : i32
        %dma_start3A_679 = arith.constant 0 : i32
        %dma_start3A_680 = arith.constant 0 : i32
        %dma_start3A_681 = arith.constant 0 : i32
        %dma_start3A_682 = tpu.memref_slice %arg6[%dma_start3A_678, %dma_start3A_680, %dma_start3A_681] : memref<8x20x64xf32, #tpu.memory_space<vmem>> -> memref<1x20x64xf32, #tpu.memory_space<vmem>>
        %dma_start3A_683 = tpu.memref_squeeze %dma_start3A_682 : memref<1x20x64xf32, #tpu.memory_space<vmem>> -> memref<20x64xf32, #tpu.memory_space<vmem>>
        %dma_start3A_684 = arith.constant 0 : i32
        %dma_start3A_685 = tpu.memref_slice %arg5[%add3A_345, %dma_start3A_684] : memref<512x20xi32, #tpu.memory_space<vmem>> -> memref<1x20xi32, #tpu.memory_space<vmem>>
        %dma_start3A_686 = tpu.memref_squeeze %dma_start3A_685 : memref<1x20xi32, #tpu.memory_space<vmem>> -> memref<20xi32, #tpu.memory_space<vmem>>
        %dma_start3A_687 = arith.constant 0 : i32
        %dma_start3A_688 = arith.constant 0 : i32
        %dma_start3A_689 = tpu.memref_slice %arg3[%dma_start3A_687, %dma_start3A_688] : memref<2000000x64xf32, #tpu.memory_space<hbm>> -> memref<2000000x64xf32, #tpu.memory_space<hbm>>
        %dma_start3A_690 = tpu.memref_slice %arg7[%dma_start3A_679] : memref<8x!tpu.dma_semaphore, #tpu.memory_space<semaphore_mem>> -> memref<1x!tpu.dma_semaphore, #tpu.memory_space<semaphore_mem>>
        %dma_start3A_691 = tpu.memref_squeeze %dma_start3A_690 : memref<1x!tpu.dma_semaphore, #tpu.memory_space<semaphore_mem>> -> memref<!tpu.dma_semaphore, #tpu.memory_space<semaphore_mem>>
        tpu.enqueue_indirect_dma source(%dma_start3A_689 : memref<2000000x64xf32, #tpu.memory_space<hbm>>) target(%dma_start3A_683 : memref<20x64xf32, #tpu.memory_space<vmem>>) offsets(%dma_start3A_686 : memref<20xi32, #tpu.memory_space<vmem>>) semaphore(%dma_start3A_691 : memref<!tpu.dma_semaphore, #tpu.memory_space<semaphore_mem>>)
      } else {
      }
      %add3A_348 = arith.constant 1 : i32
      %add3A_349 = arith.addi %mul3A_306, %add3A_348 : i32
      %dma_wait3A_350 = arith.constant 1 : i32
      %dma_wait3A_351 = arith.constant 1 : i32
      %dma_wait3A_352 = arith.constant 0 : i32
      %dma_wait3A_353 = arith.constant 0 : i32
      %dma_wait3A_354 = tpu.memref_slice %arg6[%dma_wait3A_350, %dma_wait3A_352, %dma_wait3A_353] : memref<8x20x64xf32, #tpu.memory_space<vmem>> -> memref<1x20x64xf32, #tpu.memory_space<vmem>>
      %dma_wait3A_355 = tpu.memref_squeeze %dma_wait3A_354 : memref<1x20x64xf32, #tpu.memory_space<vmem>> -> memref<20x64xf32, #tpu.memory_space<vmem>>
      %dma_wait3A_356 = arith.constant 0 : i32
      %dma_wait3A_357 = tpu.memref_slice %arg5[%add3A_349, %dma_wait3A_356] : memref<512x20xi32, #tpu.memory_space<vmem>> -> memref<1x20xi32, #tpu.memory_space<vmem>>
      %dma_wait3A_358 = tpu.memref_squeeze %dma_wait3A_357 : memref<1x20xi32, #tpu.memory_space<vmem>> -> memref<20xi32, #tpu.memory_space<vmem>>
      %dma_wait3A_359 = arith.constant 0 : i32
      %dma_wait3A_360 = arith.constant 0 : i32
      %dma_wait3A_361 = tpu.memref_slice %arg3[%dma_wait3A_359, %dma_wait3A_360] : memref<2000000x64xf32, #tpu.memory_space<hbm>> -> memref<2000000x64xf32, #tpu.memory_space<hbm>>
      %dma_wait3A_362 = tpu.memref_slice %arg7[%dma_wait3A_351] : memref<8x!tpu.dma_semaphore, #tpu.memory_space<semaphore_mem>> -> memref<1x!tpu.dma_semaphore, #tpu.memory_space<semaphore_mem>>
      %dma_wait3A_363 = tpu.memref_squeeze %dma_wait3A_362 : memref<1x!tpu.dma_semaphore, #tpu.memory_space<semaphore_mem>> -> memref<!tpu.dma_semaphore, #tpu.memory_space<semaphore_mem>>
      tpu.wait_indirect_dma semaphore(%dma_wait3A_363 : memref<!tpu.dma_semaphore, #tpu.memory_space<semaphore_mem>>) src(%dma_wait3A_361 : memref<2000000x64xf32, #tpu.memory_space<hbm>>) dst(%dma_wait3A_355 : memref<20x64xf32, #tpu.memory_space<vmem>>)
      %add3A_364 = arith.addi %mul3A_2, %add3A_349 : i32
      %dma_start3A_365 = arith.constant 1 : i32
      %dma_start3A_366 = arith.constant 1 : i32
      %dma_start3A_367 = arith.constant 0 : i32
      %dma_start3A_368 = arith.constant 0 : i32
      %dma_start3A_369 = tpu.memref_slice %arg6[%dma_start3A_365, %dma_start3A_367, %dma_start3A_368] : memref<8x20x64xf32, #tpu.memory_space<vmem>> -> memref<1x20x64xf32, #tpu.memory_space<vmem>>
      %dma_start3A_370 = tpu.memref_squeeze %dma_start3A_369 : memref<1x20x64xf32, #tpu.memory_space<vmem>> -> memref<20x64xf32, #tpu.memory_space<vmem>>
      %dma_start3A_371 = arith.constant 0 : i32
      %dma_start3A_372 = arith.constant 0 : i32
      %dma_start3A_373 = tpu.memref_slice %arg4[%add3A_364, %dma_start3A_371, %dma_start3A_372] : memref<16384x24x128xf32, #tpu.memory_space<hbm>> -> memref<1x20x64xf32, #tpu.memory_space<hbm>>
      %dma_start3A_374 = tpu.memref_squeeze %dma_start3A_373 : memref<1x20x64xf32, #tpu.memory_space<hbm>> -> memref<20x64xf32, #tpu.memory_space<hbm>>
      %dma_start3A_375 = tpu.memref_slice %arg8[%dma_start3A_366] : memref<8x!tpu.dma_semaphore, #tpu.memory_space<semaphore_mem>> -> memref<1x!tpu.dma_semaphore, #tpu.memory_space<semaphore_mem>>
      %dma_start3A_376 = tpu.memref_squeeze %dma_start3A_375 : memref<1x!tpu.dma_semaphore, #tpu.memory_space<semaphore_mem>> -> memref<!tpu.dma_semaphore, #tpu.memory_space<semaphore_mem>>
      %dma_start3A_377 = arith.constant 0 : i32
      %dma_start3A_378 = arith.constant 0 : i32
      %dma_start3A_379 = tpu.memref_slice %arg4[%add3A_364, %dma_start3A_377, %dma_start3A_378] : memref<16384x24x128xf32, #tpu.memory_space<hbm>> -> memref<1x20x64xf32, #tpu.memory_space<hbm>>
      %dma_start3A_380 = tpu.memref_squeeze %dma_start3A_379 : memref<1x20x64xf32, #tpu.memory_space<hbm>> -> memref<20x64xf32, #tpu.memory_space<hbm>>
      %dma_start3A_381 = arith.constant 0 : i32
      %dma_start3A_382 = arith.constant 0 : i32
      %dma_start3A_383 = tpu.memref_slice %arg6[%dma_start3A_365, %dma_start3A_381, %dma_start3A_382] : memref<8x20x64xf32, #tpu.memory_space<vmem>> -> memref<1x20x64xf32, #tpu.memory_space<vmem>>
      %dma_start3A_384 = tpu.memref_squeeze %dma_start3A_383 : memref<1x20x64xf32, #tpu.memory_space<vmem>> -> memref<20x64xf32, #tpu.memory_space<vmem>>
      tpu.enqueue_dma source(%dma_start3A_384 : memref<20x64xf32, #tpu.memory_space<vmem>>) target(%dma_start3A_380 : memref<20x64xf32, #tpu.memory_space<hbm>>) target_semaphore(%dma_start3A_376 : memref<!tpu.dma_semaphore, #tpu.memory_space<semaphore_mem>>)
      %add3A_385 = arith.constant 8 : i32
      %add3A_386 = arith.addi %add3A_349, %add3A_385 : i32
      %lt3A_387 = arith.constant 512 : i32
      %lt3A_388 = arith.cmpi slt, %add3A_386, %lt3A_387 : i32
      %convert_element_type3A_389 = arith.extui %lt3A_388 : i1 to i32
      %cond3A_390 = arith.constant 0 : i32
      %cond3A_391 = arith.cmpi ne, %convert_element_type3A_389, %cond3A_390 : i32
      scf.if %cond3A_391 {
        %add3A_657 = arith.addi %mul3A_2, %add3A_349 : i32
        %dma_wait3A_658 = arith.constant 1 : i32
        %dma_wait3A_659 = arith.constant 1 : i32
        %dma_wait3A_660 = arith.constant 0 : i32
        %dma_wait3A_661 = arith.constant 0 : i32
        %dma_wait3A_662 = tpu.memref_slice %arg6[%dma_wait3A_658, %dma_wait3A_660, %dma_wait3A_661] : memref<8x20x64xf32, #tpu.memory_space<vmem>> -> memref<1x20x64xf32, #tpu.memory_space<vmem>>
        %dma_wait3A_663 = tpu.memref_squeeze %dma_wait3A_662 : memref<1x20x64xf32, #tpu.memory_space<vmem>> -> memref<20x64xf32, #tpu.memory_space<vmem>>
        %dma_wait3A_664 = arith.constant 0 : i32
        %dma_wait3A_665 = arith.constant 0 : i32
        %dma_wait3A_666 = tpu.memref_slice %arg4[%add3A_657, %dma_wait3A_664, %dma_wait3A_665] : memref<16384x24x128xf32, #tpu.memory_space<hbm>> -> memref<1x20x64xf32, #tpu.memory_space<hbm>>
        %dma_wait3A_667 = tpu.memref_squeeze %dma_wait3A_666 : memref<1x20x64xf32, #tpu.memory_space<hbm>> -> memref<20x64xf32, #tpu.memory_space<hbm>>
        %dma_wait3A_668 = tpu.memref_slice %arg8[%dma_wait3A_659] : memref<8x!tpu.dma_semaphore, #tpu.memory_space<semaphore_mem>> -> memref<1x!tpu.dma_semaphore, #tpu.memory_space<semaphore_mem>>
        %dma_wait3A_669 = tpu.memref_squeeze %dma_wait3A_668 : memref<1x!tpu.dma_semaphore, #tpu.memory_space<semaphore_mem>> -> memref<!tpu.dma_semaphore, #tpu.memory_space<semaphore_mem>>
        %dma_wait3A_670 = arith.constant 0 : i32
        %dma_wait3A_671 = arith.constant 0 : i32
        %dma_wait3A_672 = tpu.memref_slice %arg4[%add3A_657, %dma_wait3A_670, %dma_wait3A_671] : memref<16384x24x128xf32, #tpu.memory_space<hbm>> -> memref<1x20x64xf32, #tpu.memory_space<hbm>>
        %dma_wait3A_673 = tpu.memref_squeeze %dma_wait3A_672 : memref<1x20x64xf32, #tpu.memory_space<hbm>> -> memref<20x64xf32, #tpu.memory_space<hbm>>
        %dma_wait3A_674 = arith.constant 0 : i32
        %dma_wait3A_675 = arith.constant 0 : i32
        %dma_wait3A_676 = tpu.memref_slice %arg6[%dma_wait3A_658, %dma_wait3A_674, %dma_wait3A_675] : memref<8x20x64xf32, #tpu.memory_space<vmem>> -> memref<1x20x64xf32, #tpu.memory_space<vmem>>
        %dma_wait3A_677 = tpu.memref_squeeze %dma_wait3A_676 : memref<1x20x64xf32, #tpu.memory_space<vmem>> -> memref<20x64xf32, #tpu.memory_space<vmem>>
        tpu.wait_dma2 semaphore(%dma_wait3A_669 : memref<!tpu.dma_semaphore, #tpu.memory_space<semaphore_mem>>) src(%dma_wait3A_677 : memref<20x64xf32, #tpu.memory_space<vmem>>) dst(%dma_wait3A_673 : memref<20x64xf32, #tpu.memory_space<hbm>>)
        %dma_start3A_678 = arith.constant 1 : i32
        %dma_start3A_679 = arith.constant 1 : i32
        %dma_start3A_680 = arith.constant 0 : i32
        %dma_start3A_681 = arith.constant 0 : i32
        %dma_start3A_682 = tpu.memref_slice %arg6[%dma_start3A_678, %dma_start3A_680, %dma_start3A_681] : memref<8x20x64xf32, #tpu.memory_space<vmem>> -> memref<1x20x64xf32, #tpu.memory_space<vmem>>
        %dma_start3A_683 = tpu.memref_squeeze %dma_start3A_682 : memref<1x20x64xf32, #tpu.memory_space<vmem>> -> memref<20x64xf32, #tpu.memory_space<vmem>>
        %dma_start3A_684 = arith.constant 0 : i32
        %dma_start3A_685 = tpu.memref_slice %arg5[%add3A_386, %dma_start3A_684] : memref<512x20xi32, #tpu.memory_space<vmem>> -> memref<1x20xi32, #tpu.memory_space<vmem>>
        %dma_start3A_686 = tpu.memref_squeeze %dma_start3A_685 : memref<1x20xi32, #tpu.memory_space<vmem>> -> memref<20xi32, #tpu.memory_space<vmem>>
        %dma_start3A_687 = arith.constant 0 : i32
        %dma_start3A_688 = arith.constant 0 : i32
        %dma_start3A_689 = tpu.memref_slice %arg3[%dma_start3A_687, %dma_start3A_688] : memref<2000000x64xf32, #tpu.memory_space<hbm>> -> memref<2000000x64xf32, #tpu.memory_space<hbm>>
        %dma_start3A_690 = tpu.memref_slice %arg7[%dma_start3A_679] : memref<8x!tpu.dma_semaphore, #tpu.memory_space<semaphore_mem>> -> memref<1x!tpu.dma_semaphore, #tpu.memory_space<semaphore_mem>>
        %dma_start3A_691 = tpu.memref_squeeze %dma_start3A_690 : memref<1x!tpu.dma_semaphore, #tpu.memory_space<semaphore_mem>> -> memref<!tpu.dma_semaphore, #tpu.memory_space<semaphore_mem>>
        tpu.enqueue_indirect_dma source(%dma_start3A_689 : memref<2000000x64xf32, #tpu.memory_space<hbm>>) target(%dma_start3A_683 : memref<20x64xf32, #tpu.memory_space<vmem>>) offsets(%dma_start3A_686 : memref<20xi32, #tpu.memory_space<vmem>>) semaphore(%dma_start3A_691 : memref<!tpu.dma_semaphore, #tpu.memory_space<semaphore_mem>>)
      } else {
      }
      %add3A_392 = arith.constant 2 : i32
      %add3A_393 = arith.addi %mul3A_306, %add3A_392 : i32
      %dma_wait3A_394 = arith.constant 2 : i32
      %dma_wait3A_395 = arith.constant 2 : i32
      %dma_wait3A_396 = arith.constant 0 : i32
      %dma_wait3A_397 = arith.constant 0 : i32
      %dma_wait3A_398 = tpu.memref_slice %arg6[%dma_wait3A_394, %dma_wait3A_396, %dma_wait3A_397] : memref<8x20x64xf32, #tpu.memory_space<vmem>> -> memref<1x20x64xf32, #tpu.memory_space<vmem>>
      %dma_wait3A_399 = tpu.memref_squeeze %dma_wait3A_398 : memref<1x20x64xf32, #tpu.memory_space<vmem>> -> memref<20x64xf32, #tpu.memory_space<vmem>>
      %dma_wait3A_400 = arith.constant 0 : i32
      %dma_wait3A_401 = tpu.memref_slice %arg5[%add3A_393, %dma_wait3A_400] : memref<512x20xi32, #tpu.memory_space<vmem>> -> memref<1x20xi32, #tpu.memory_space<vmem>>
      %dma_wait3A_402 = tpu.memref_squeeze %dma_wait3A_401 : memref<1x20xi32, #tpu.memory_space<vmem>> -> memref<20xi32, #tpu.memory_space<vmem>>
      %dma_wait3A_403 = arith.constant 0 : i32
      %dma_wait3A_404 = arith.constant 0 : i32
      %dma_wait3A_405 = tpu.memref_slice %arg3[%dma_wait3A_403, %dma_wait3A_404] : memref<2000000x64xf32, #tpu.memory_space<hbm>> -> memref<2000000x64xf32, #tpu.memory_space<hbm>>
      %dma_wait3A_406 = tpu.memref_slice %arg7[%dma_wait3A_395] : memref<8x!tpu.dma_semaphore, #tpu.memory_space<semaphore_mem>> -> memref<1x!tpu.dma_semaphore, #tpu.memory_space<semaphore_mem>>
      %dma_wait3A_407 = tpu.memref_squeeze %dma_wait3A_406 : memref<1x!tpu.dma_semaphore, #tpu.memory_space<semaphore_mem>> -> memref<!tpu.dma_semaphore, #tpu.memory_space<semaphore_mem>>
      tpu.wait_indirect_dma semaphore(%dma_wait3A_407 : memref<!tpu.dma_semaphore, #tpu.memory_space<semaphore_mem>>) src(%dma_wait3A_405 : memref<2000000x64xf32, #tpu.memory_space<hbm>>) dst(%dma_wait3A_399 : memref<20x64xf32, #tpu.memory_space<vmem>>)
      %add3A_408 = arith.addi %mul3A_2, %add3A_393 : i32
      %dma_start3A_409 = arith.constant 2 : i32
      %dma_start3A_410 = arith.constant 2 : i32
      %dma_start3A_411 = arith.constant 0 : i32
      %dma_start3A_412 = arith.constant 0 : i32
      %dma_start3A_413 = tpu.memref_slice %arg6[%dma_start3A_409, %dma_start3A_411, %dma_start3A_412] : memref<8x20x64xf32, #tpu.memory_space<vmem>> -> memref<1x20x64xf32, #tpu.memory_space<vmem>>
      %dma_start3A_414 = tpu.memref_squeeze %dma_start3A_413 : memref<1x20x64xf32, #tpu.memory_space<vmem>> -> memref<20x64xf32, #tpu.memory_space<vmem>>
      %dma_start3A_415 = arith.constant 0 : i32
      %dma_start3A_416 = arith.constant 0 : i32
      %dma_start3A_417 = tpu.memref_slice %arg4[%add3A_408, %dma_start3A_415, %dma_start3A_416] : memref<16384x24x128xf32, #tpu.memory_space<hbm>> -> memref<1x20x64xf32, #tpu.memory_space<hbm>>
      %dma_start3A_418 = tpu.memref_squeeze %dma_start3A_417 : memref<1x20x64xf32, #tpu.memory_space<hbm>> -> memref<20x64xf32, #tpu.memory_space<hbm>>
      %dma_start3A_419 = tpu.memref_slice %arg8[%dma_start3A_410] : memref<8x!tpu.dma_semaphore, #tpu.memory_space<semaphore_mem>> -> memref<1x!tpu.dma_semaphore, #tpu.memory_space<semaphore_mem>>
      %dma_start3A_420 = tpu.memref_squeeze %dma_start3A_419 : memref<1x!tpu.dma_semaphore, #tpu.memory_space<semaphore_mem>> -> memref<!tpu.dma_semaphore, #tpu.memory_space<semaphore_mem>>
      %dma_start3A_421 = arith.constant 0 : i32
      %dma_start3A_422 = arith.constant 0 : i32
      %dma_start3A_423 = tpu.memref_slice %arg4[%add3A_408, %dma_start3A_421, %dma_start3A_422] : memref<16384x24x128xf32, #tpu.memory_space<hbm>> -> memref<1x20x64xf32, #tpu.memory_space<hbm>>
      %dma_start3A_424 = tpu.memref_squeeze %dma_start3A_423 : memref<1x20x64xf32, #tpu.memory_space<hbm>> -> memref<20x64xf32, #tpu.memory_space<hbm>>
      %dma_start3A_425 = arith.constant 0 : i32
      %dma_start3A_426 = arith.constant 0 : i32
      %dma_start3A_427 = tpu.memref_slice %arg6[%dma_start3A_409, %dma_start3A_425, %dma_start3A_426] : memref<8x20x64xf32, #tpu.memory_space<vmem>> -> memref<1x20x64xf32, #tpu.memory_space<vmem>>
      %dma_start3A_428 = tpu.memref_squeeze %dma_start3A_427 : memref<1x20x64xf32, #tpu.memory_space<vmem>> -> memref<20x64xf32, #tpu.memory_space<vmem>>
      tpu.enqueue_dma source(%dma_start3A_428 : memref<20x64xf32, #tpu.memory_space<vmem>>) target(%dma_start3A_424 : memref<20x64xf32, #tpu.memory_space<hbm>>) target_semaphore(%dma_start3A_420 : memref<!tpu.dma_semaphore, #tpu.memory_space<semaphore_mem>>)
      %add3A_429 = arith.constant 8 : i32
      %add3A_430 = arith.addi %add3A_393, %add3A_429 : i32
      %lt3A_431 = arith.constant 512 : i32
      %lt3A_432 = arith.cmpi slt, %add3A_430, %lt3A_431 : i32
      %convert_element_type3A_433 = arith.extui %lt3A_432 : i1 to i32
      %cond3A_434 = arith.constant 0 : i32
      %cond3A_435 = arith.cmpi ne, %convert_element_type3A_433, %cond3A_434 : i32
      scf.if %cond3A_435 {
        %add3A_657 = arith.addi %mul3A_2, %add3A_393 : i32
        %dma_wait3A_658 = arith.constant 2 : i32
        %dma_wait3A_659 = arith.constant 2 : i32
        %dma_wait3A_660 = arith.constant 0 : i32
        %dma_wait3A_661 = arith.constant 0 : i32
        %dma_wait3A_662 = tpu.memref_slice %arg6[%dma_wait3A_658, %dma_wait3A_660, %dma_wait3A_661] : memref<8x20x64xf32, #tpu.memory_space<vmem>> -> memref<1x20x64xf32, #tpu.memory_space<vmem>>
        %dma_wait3A_663 = tpu.memref_squeeze %dma_wait3A_662 : memref<1x20x64xf32, #tpu.memory_space<vmem>> -> memref<20x64xf32, #tpu.memory_space<vmem>>
        %dma_wait3A_664 = arith.constant 0 : i32
        %dma_wait3A_665 = arith.constant 0 : i32
        %dma_wait3A_666 = tpu.memref_slice %arg4[%add3A_657, %dma_wait3A_664, %dma_wait3A_665] : memref<16384x24x128xf32, #tpu.memory_space<hbm>> -> memref<1x20x64xf32, #tpu.memory_space<hbm>>
        %dma_wait3A_667 = tpu.memref_squeeze %dma_wait3A_666 : memref<1x20x64xf32, #tpu.memory_space<hbm>> -> memref<20x64xf32, #tpu.memory_space<hbm>>
        %dma_wait3A_668 = tpu.memref_slice %arg8[%dma_wait3A_659] : memref<8x!tpu.dma_semaphore, #tpu.memory_space<semaphore_mem>> -> memref<1x!tpu.dma_semaphore, #tpu.memory_space<semaphore_mem>>
        %dma_wait3A_669 = tpu.memref_squeeze %dma_wait3A_668 : memref<1x!tpu.dma_semaphore, #tpu.memory_space<semaphore_mem>> -> memref<!tpu.dma_semaphore, #tpu.memory_space<semaphore_mem>>
        %dma_wait3A_670 = arith.constant 0 : i32
        %dma_wait3A_671 = arith.constant 0 : i32
        %dma_wait3A_672 = tpu.memref_slice %arg4[%add3A_657, %dma_wait3A_670, %dma_wait3A_671] : memref<16384x24x128xf32, #tpu.memory_space<hbm>> -> memref<1x20x64xf32, #tpu.memory_space<hbm>>
        %dma_wait3A_673 = tpu.memref_squeeze %dma_wait3A_672 : memref<1x20x64xf32, #tpu.memory_space<hbm>> -> memref<20x64xf32, #tpu.memory_space<hbm>>
        %dma_wait3A_674 = arith.constant 0 : i32
        %dma_wait3A_675 = arith.constant 0 : i32
        %dma_wait3A_676 = tpu.memref_slice %arg6[%dma_wait3A_658, %dma_wait3A_674, %dma_wait3A_675] : memref<8x20x64xf32, #tpu.memory_space<vmem>> -> memref<1x20x64xf32, #tpu.memory_space<vmem>>
        %dma_wait3A_677 = tpu.memref_squeeze %dma_wait3A_676 : memref<1x20x64xf32, #tpu.memory_space<vmem>> -> memref<20x64xf32, #tpu.memory_space<vmem>>
        tpu.wait_dma2 semaphore(%dma_wait3A_669 : memref<!tpu.dma_semaphore, #tpu.memory_space<semaphore_mem>>) src(%dma_wait3A_677 : memref<20x64xf32, #tpu.memory_space<vmem>>) dst(%dma_wait3A_673 : memref<20x64xf32, #tpu.memory_space<hbm>>)
        %dma_start3A_678 = arith.constant 2 : i32
        %dma_start3A_679 = arith.constant 2 : i32
        %dma_start3A_680 = arith.constant 0 : i32
        %dma_start3A_681 = arith.constant 0 : i32
        %dma_start3A_682 = tpu.memref_slice %arg6[%dma_start3A_678, %dma_start3A_680, %dma_start3A_681] : memref<8x20x64xf32, #tpu.memory_space<vmem>> -> memref<1x20x64xf32, #tpu.memory_space<vmem>>
        %dma_start3A_683 = tpu.memref_squeeze %dma_start3A_682 : memref<1x20x64xf32, #tpu.memory_space<vmem>> -> memref<20x64xf32, #tpu.memory_space<vmem>>
        %dma_start3A_684 = arith.constant 0 : i32
        %dma_start3A_685 = tpu.memref_slice %arg5[%add3A_430, %dma_start3A_684] : memref<512x20xi32, #tpu.memory_space<vmem>> -> memref<1x20xi32, #tpu.memory_space<vmem>>
        %dma_start3A_686 = tpu.memref_squeeze %dma_start3A_685 : memref<1x20xi32, #tpu.memory_space<vmem>> -> memref<20xi32, #tpu.memory_space<vmem>>
        %dma_start3A_687 = arith.constant 0 : i32
        %dma_start3A_688 = arith.constant 0 : i32
        %dma_start3A_689 = tpu.memref_slice %arg3[%dma_start3A_687, %dma_start3A_688] : memref<2000000x64xf32, #tpu.memory_space<hbm>> -> memref<2000000x64xf32, #tpu.memory_space<hbm>>
        %dma_start3A_690 = tpu.memref_slice %arg7[%dma_start3A_679] : memref<8x!tpu.dma_semaphore, #tpu.memory_space<semaphore_mem>> -> memref<1x!tpu.dma_semaphore, #tpu.memory_space<semaphore_mem>>
        %dma_start3A_691 = tpu.memref_squeeze %dma_start3A_690 : memref<1x!tpu.dma_semaphore, #tpu.memory_space<semaphore_mem>> -> memref<!tpu.dma_semaphore, #tpu.memory_space<semaphore_mem>>
        tpu.enqueue_indirect_dma source(%dma_start3A_689 : memref<2000000x64xf32, #tpu.memory_space<hbm>>) target(%dma_start3A_683 : memref<20x64xf32, #tpu.memory_space<vmem>>) offsets(%dma_start3A_686 : memref<20xi32, #tpu.memory_space<vmem>>) semaphore(%dma_start3A_691 : memref<!tpu.dma_semaphore, #tpu.memory_space<semaphore_mem>>)
      } else {
      }
      %add3A_436 = arith.constant 3 : i32
      %add3A_437 = arith.addi %mul3A_306, %add3A_436 : i32
      %dma_wait3A_438 = arith.constant 3 : i32
      %dma_wait3A_439 = arith.constant 3 : i32
      %dma_wait3A_440 = arith.constant 0 : i32
      %dma_wait3A_441 = arith.constant 0 : i32
      %dma_wait3A_442 = tpu.memref_slice %arg6[%dma_wait3A_438, %dma_wait3A_440, %dma_wait3A_441] : memref<8x20x64xf32, #tpu.memory_space<vmem>> -> memref<1x20x64xf32, #tpu.memory_space<vmem>>
      %dma_wait3A_443 = tpu.memref_squeeze %dma_wait3A_442 : memref<1x20x64xf32, #tpu.memory_space<vmem>> -> memref<20x64xf32, #tpu.memory_space<vmem>>
      %dma_wait3A_444 = arith.constant 0 : i32
      %dma_wait3A_445 = tpu.memref_slice %arg5[%add3A_437, %dma_wait3A_444] : memref<512x20xi32, #tpu.memory_space<vmem>> -> memref<1x20xi32, #tpu.memory_space<vmem>>
      %dma_wait3A_446 = tpu.memref_squeeze %dma_wait3A_445 : memref<1x20xi32, #tpu.memory_space<vmem>> -> memref<20xi32, #tpu.memory_space<vmem>>
      %dma_wait3A_447 = arith.constant 0 : i32
      %dma_wait3A_448 = arith.constant 0 : i32
      %dma_wait3A_449 = tpu.memref_slice %arg3[%dma_wait3A_447, %dma_wait3A_448] : memref<2000000x64xf32, #tpu.memory_space<hbm>> -> memref<2000000x64xf32, #tpu.memory_space<hbm>>
      %dma_wait3A_450 = tpu.memref_slice %arg7[%dma_wait3A_439] : memref<8x!tpu.dma_semaphore, #tpu.memory_space<semaphore_mem>> -> memref<1x!tpu.dma_semaphore, #tpu.memory_space<semaphore_mem>>
      %dma_wait3A_451 = tpu.memref_squeeze %dma_wait3A_450 : memref<1x!tpu.dma_semaphore, #tpu.memory_space<semaphore_mem>> -> memref<!tpu.dma_semaphore, #tpu.memory_space<semaphore_mem>>
      tpu.wait_indirect_dma semaphore(%dma_wait3A_451 : memref<!tpu.dma_semaphore, #tpu.memory_space<semaphore_mem>>) src(%dma_wait3A_449 : memref<2000000x64xf32, #tpu.memory_space<hbm>>) dst(%dma_wait3A_443 : memref<20x64xf32, #tpu.memory_space<vmem>>)
      %add3A_452 = arith.addi %mul3A_2, %add3A_437 : i32
      %dma_start3A_453 = arith.constant 3 : i32
      %dma_start3A_454 = arith.constant 3 : i32
      %dma_start3A_455 = arith.constant 0 : i32
      %dma_start3A_456 = arith.constant 0 : i32
      %dma_start3A_457 = tpu.memref_slice %arg6[%dma_start3A_453, %dma_start3A_455, %dma_start3A_456] : memref<8x20x64xf32, #tpu.memory_space<vmem>> -> memref<1x20x64xf32, #tpu.memory_space<vmem>>
      %dma_start3A_458 = tpu.memref_squeeze %dma_start3A_457 : memref<1x20x64xf32, #tpu.memory_space<vmem>> -> memref<20x64xf32, #tpu.memory_space<vmem>>
      %dma_start3A_459 = arith.constant 0 : i32
      %dma_start3A_460 = arith.constant 0 : i32
      %dma_start3A_461 = tpu.memref_slice %arg4[%add3A_452, %dma_start3A_459, %dma_start3A_460] : memref<16384x24x128xf32, #tpu.memory_space<hbm>> -> memref<1x20x64xf32, #tpu.memory_space<hbm>>
      %dma_start3A_462 = tpu.memref_squeeze %dma_start3A_461 : memref<1x20x64xf32, #tpu.memory_space<hbm>> -> memref<20x64xf32, #tpu.memory_space<hbm>>
      %dma_start3A_463 = tpu.memref_slice %arg8[%dma_start3A_454] : memref<8x!tpu.dma_semaphore, #tpu.memory_space<semaphore_mem>> -> memref<1x!tpu.dma_semaphore, #tpu.memory_space<semaphore_mem>>
      %dma_start3A_464 = tpu.memref_squeeze %dma_start3A_463 : memref<1x!tpu.dma_semaphore, #tpu.memory_space<semaphore_mem>> -> memref<!tpu.dma_semaphore, #tpu.memory_space<semaphore_mem>>
      %dma_start3A_465 = arith.constant 0 : i32
      %dma_start3A_466 = arith.constant 0 : i32
      %dma_start3A_467 = tpu.memref_slice %arg4[%add3A_452, %dma_start3A_465, %dma_start3A_466] : memref<16384x24x128xf32, #tpu.memory_space<hbm>> -> memref<1x20x64xf32, #tpu.memory_space<hbm>>
      %dma_start3A_468 = tpu.memref_squeeze %dma_start3A_467 : memref<1x20x64xf32, #tpu.memory_space<hbm>> -> memref<20x64xf32, #tpu.memory_space<hbm>>
      %dma_start3A_469 = arith.constant 0 : i32
      %dma_start3A_470 = arith.constant 0 : i32
      %dma_start3A_471 = tpu.memref_slice %arg6[%dma_start3A_453, %dma_start3A_469, %dma_start3A_470] : memref<8x20x64xf32, #tpu.memory_space<vmem>> -> memref<1x20x64xf32, #tpu.memory_space<vmem>>
      %dma_start3A_472 = tpu.memref_squeeze %dma_start3A_471 : memref<1x20x64xf32, #tpu.memory_space<vmem>> -> memref<20x64xf32, #tpu.memory_space<vmem>>
      tpu.enqueue_dma source(%dma_start3A_472 : memref<20x64xf32, #tpu.memory_space<vmem>>) target(%dma_start3A_468 : memref<20x64xf32, #tpu.memory_space<hbm>>) target_semaphore(%dma_start3A_464 : memref<!tpu.dma_semaphore, #tpu.memory_space<semaphore_mem>>)
      %add3A_473 = arith.constant 8 : i32
      %add3A_474 = arith.addi %add3A_437, %add3A_473 : i32
      %lt3A_475 = arith.constant 512 : i32
      %lt3A_476 = arith.cmpi slt, %add3A_474, %lt3A_475 : i32
      %convert_element_type3A_477 = arith.extui %lt3A_476 : i1 to i32
      %cond3A_478 = arith.constant 0 : i32
      %cond3A_479 = arith.cmpi ne, %convert_element_type3A_477, %cond3A_478 : i32
      scf.if %cond3A_479 {
        %add3A_657 = arith.addi %mul3A_2, %add3A_437 : i32
        %dma_wait3A_658 = arith.constant 3 : i32
        %dma_wait3A_659 = arith.constant 3 : i32
        %dma_wait3A_660 = arith.constant 0 : i32
        %dma_wait3A_661 = arith.constant 0 : i32
        %dma_wait3A_662 = tpu.memref_slice %arg6[%dma_wait3A_658, %dma_wait3A_660, %dma_wait3A_661] : memref<8x20x64xf32, #tpu.memory_space<vmem>> -> memref<1x20x64xf32, #tpu.memory_space<vmem>>
        %dma_wait3A_663 = tpu.memref_squeeze %dma_wait3A_662 : memref<1x20x64xf32, #tpu.memory_space<vmem>> -> memref<20x64xf32, #tpu.memory_space<vmem>>
        %dma_wait3A_664 = arith.constant 0 : i32
        %dma_wait3A_665 = arith.constant 0 : i32
        %dma_wait3A_666 = tpu.memref_slice %arg4[%add3A_657, %dma_wait3A_664, %dma_wait3A_665] : memref<16384x24x128xf32, #tpu.memory_space<hbm>> -> memref<1x20x64xf32, #tpu.memory_space<hbm>>
        %dma_wait3A_667 = tpu.memref_squeeze %dma_wait3A_666 : memref<1x20x64xf32, #tpu.memory_space<hbm>> -> memref<20x64xf32, #tpu.memory_space<hbm>>
        %dma_wait3A_668 = tpu.memref_slice %arg8[%dma_wait3A_659] : memref<8x!tpu.dma_semaphore, #tpu.memory_space<semaphore_mem>> -> memref<1x!tpu.dma_semaphore, #tpu.memory_space<semaphore_mem>>
        %dma_wait3A_669 = tpu.memref_squeeze %dma_wait3A_668 : memref<1x!tpu.dma_semaphore, #tpu.memory_space<semaphore_mem>> -> memref<!tpu.dma_semaphore, #tpu.memory_space<semaphore_mem>>
        %dma_wait3A_670 = arith.constant 0 : i32
        %dma_wait3A_671 = arith.constant 0 : i32
        %dma_wait3A_672 = tpu.memref_slice %arg4[%add3A_657, %dma_wait3A_670, %dma_wait3A_671] : memref<16384x24x128xf32, #tpu.memory_space<hbm>> -> memref<1x20x64xf32, #tpu.memory_space<hbm>>
        %dma_wait3A_673 = tpu.memref_squeeze %dma_wait3A_672 : memref<1x20x64xf32, #tpu.memory_space<hbm>> -> memref<20x64xf32, #tpu.memory_space<hbm>>
        %dma_wait3A_674 = arith.constant 0 : i32
        %dma_wait3A_675 = arith.constant 0 : i32
        %dma_wait3A_676 = tpu.memref_slice %arg6[%dma_wait3A_658, %dma_wait3A_674, %dma_wait3A_675] : memref<8x20x64xf32, #tpu.memory_space<vmem>> -> memref<1x20x64xf32, #tpu.memory_space<vmem>>
        %dma_wait3A_677 = tpu.memref_squeeze %dma_wait3A_676 : memref<1x20x64xf32, #tpu.memory_space<vmem>> -> memref<20x64xf32, #tpu.memory_space<vmem>>
        tpu.wait_dma2 semaphore(%dma_wait3A_669 : memref<!tpu.dma_semaphore, #tpu.memory_space<semaphore_mem>>) src(%dma_wait3A_677 : memref<20x64xf32, #tpu.memory_space<vmem>>) dst(%dma_wait3A_673 : memref<20x64xf32, #tpu.memory_space<hbm>>)
        %dma_start3A_678 = arith.constant 3 : i32
        %dma_start3A_679 = arith.constant 3 : i32
        %dma_start3A_680 = arith.constant 0 : i32
        %dma_start3A_681 = arith.constant 0 : i32
        %dma_start3A_682 = tpu.memref_slice %arg6[%dma_start3A_678, %dma_start3A_680, %dma_start3A_681] : memref<8x20x64xf32, #tpu.memory_space<vmem>> -> memref<1x20x64xf32, #tpu.memory_space<vmem>>
        %dma_start3A_683 = tpu.memref_squeeze %dma_start3A_682 : memref<1x20x64xf32, #tpu.memory_space<vmem>> -> memref<20x64xf32, #tpu.memory_space<vmem>>
        %dma_start3A_684 = arith.constant 0 : i32
        %dma_start3A_685 = tpu.memref_slice %arg5[%add3A_474, %dma_start3A_684] : memref<512x20xi32, #tpu.memory_space<vmem>> -> memref<1x20xi32, #tpu.memory_space<vmem>>
        %dma_start3A_686 = tpu.memref_squeeze %dma_start3A_685 : memref<1x20xi32, #tpu.memory_space<vmem>> -> memref<20xi32, #tpu.memory_space<vmem>>
        %dma_start3A_687 = arith.constant 0 : i32
        %dma_start3A_688 = arith.constant 0 : i32
        %dma_start3A_689 = tpu.memref_slice %arg3[%dma_start3A_687, %dma_start3A_688] : memref<2000000x64xf32, #tpu.memory_space<hbm>> -> memref<2000000x64xf32, #tpu.memory_space<hbm>>
        %dma_start3A_690 = tpu.memref_slice %arg7[%dma_start3A_679] : memref<8x!tpu.dma_semaphore, #tpu.memory_space<semaphore_mem>> -> memref<1x!tpu.dma_semaphore, #tpu.memory_space<semaphore_mem>>
        %dma_start3A_691 = tpu.memref_squeeze %dma_start3A_690 : memref<1x!tpu.dma_semaphore, #tpu.memory_space<semaphore_mem>> -> memref<!tpu.dma_semaphore, #tpu.memory_space<semaphore_mem>>
        tpu.enqueue_indirect_dma source(%dma_start3A_689 : memref<2000000x64xf32, #tpu.memory_space<hbm>>) target(%dma_start3A_683 : memref<20x64xf32, #tpu.memory_space<vmem>>) offsets(%dma_start3A_686 : memref<20xi32, #tpu.memory_space<vmem>>) semaphore(%dma_start3A_691 : memref<!tpu.dma_semaphore, #tpu.memory_space<semaphore_mem>>)
      } else {
      }
      %add3A_480 = arith.constant 4 : i32
      %add3A_481 = arith.addi %mul3A_306, %add3A_480 : i32
      %dma_wait3A_482 = arith.constant 4 : i32
      %dma_wait3A_483 = arith.constant 4 : i32
      %dma_wait3A_484 = arith.constant 0 : i32
      %dma_wait3A_485 = arith.constant 0 : i32
      %dma_wait3A_486 = tpu.memref_slice %arg6[%dma_wait3A_482, %dma_wait3A_484, %dma_wait3A_485] : memref<8x20x64xf32, #tpu.memory_space<vmem>> -> memref<1x20x64xf32, #tpu.memory_space<vmem>>
      %dma_wait3A_487 = tpu.memref_squeeze %dma_wait3A_486 : memref<1x20x64xf32, #tpu.memory_space<vmem>> -> memref<20x64xf32, #tpu.memory_space<vmem>>
      %dma_wait3A_488 = arith.constant 0 : i32
      %dma_wait3A_489 = tpu.memref_slice %arg5[%add3A_481, %dma_wait3A_488] : memref<512x20xi32, #tpu.memory_space<vmem>> -> memref<1x20xi32, #tpu.memory_space<vmem>>
      %dma_wait3A_490 = tpu.memref_squeeze %dma_wait3A_489 : memref<1x20xi32, #tpu.memory_space<vmem>> -> memref<20xi32, #tpu.memory_space<vmem>>
      %dma_wait3A_491 = arith.constant 0 : i32
      %dma_wait3A_492 = arith.constant 0 : i32
      %dma_wait3A_493 = tpu.memref_slice %arg3[%dma_wait3A_491, %dma_wait3A_492] : memref<2000000x64xf32, #tpu.memory_space<hbm>> -> memref<2000000x64xf32, #tpu.memory_space<hbm>>
      %dma_wait3A_494 = tpu.memref_slice %arg7[%dma_wait3A_483] : memref<8x!tpu.dma_semaphore, #tpu.memory_space<semaphore_mem>> -> memref<1x!tpu.dma_semaphore, #tpu.memory_space<semaphore_mem>>
      %dma_wait3A_495 = tpu.memref_squeeze %dma_wait3A_494 : memref<1x!tpu.dma_semaphore, #tpu.memory_space<semaphore_mem>> -> memref<!tpu.dma_semaphore, #tpu.memory_space<semaphore_mem>>
      tpu.wait_indirect_dma semaphore(%dma_wait3A_495 : memref<!tpu.dma_semaphore, #tpu.memory_space<semaphore_mem>>) src(%dma_wait3A_493 : memref<2000000x64xf32, #tpu.memory_space<hbm>>) dst(%dma_wait3A_487 : memref<20x64xf32, #tpu.memory_space<vmem>>)
      %add3A_496 = arith.addi %mul3A_2, %add3A_481 : i32
      %dma_start3A_497 = arith.constant 4 : i32
      %dma_start3A_498 = arith.constant 4 : i32
      %dma_start3A_499 = arith.constant 0 : i32
      %dma_start3A_500 = arith.constant 0 : i32
      %dma_start3A_501 = tpu.memref_slice %arg6[%dma_start3A_497, %dma_start3A_499, %dma_start3A_500] : memref<8x20x64xf32, #tpu.memory_space<vmem>> -> memref<1x20x64xf32, #tpu.memory_space<vmem>>
      %dma_start3A_502 = tpu.memref_squeeze %dma_start3A_501 : memref<1x20x64xf32, #tpu.memory_space<vmem>> -> memref<20x64xf32, #tpu.memory_space<vmem>>
      %dma_start3A_503 = arith.constant 0 : i32
      %dma_start3A_504 = arith.constant 0 : i32
      %dma_start3A_505 = tpu.memref_slice %arg4[%add3A_496, %dma_start3A_503, %dma_start3A_504] : memref<16384x24x128xf32, #tpu.memory_space<hbm>> -> memref<1x20x64xf32, #tpu.memory_space<hbm>>
      %dma_start3A_506 = tpu.memref_squeeze %dma_start3A_505 : memref<1x20x64xf32, #tpu.memory_space<hbm>> -> memref<20x64xf32, #tpu.memory_space<hbm>>
      %dma_start3A_507 = tpu.memref_slice %arg8[%dma_start3A_498] : memref<8x!tpu.dma_semaphore, #tpu.memory_space<semaphore_mem>> -> memref<1x!tpu.dma_semaphore, #tpu.memory_space<semaphore_mem>>
      %dma_start3A_508 = tpu.memref_squeeze %dma_start3A_507 : memref<1x!tpu.dma_semaphore, #tpu.memory_space<semaphore_mem>> -> memref<!tpu.dma_semaphore, #tpu.memory_space<semaphore_mem>>
      %dma_start3A_509 = arith.constant 0 : i32
      %dma_start3A_510 = arith.constant 0 : i32
      %dma_start3A_511 = tpu.memref_slice %arg4[%add3A_496, %dma_start3A_509, %dma_start3A_510] : memref<16384x24x128xf32, #tpu.memory_space<hbm>> -> memref<1x20x64xf32, #tpu.memory_space<hbm>>
      %dma_start3A_512 = tpu.memref_squeeze %dma_start3A_511 : memref<1x20x64xf32, #tpu.memory_space<hbm>> -> memref<20x64xf32, #tpu.memory_space<hbm>>
      %dma_start3A_513 = arith.constant 0 : i32
      %dma_start3A_514 = arith.constant 0 : i32
      %dma_start3A_515 = tpu.memref_slice %arg6[%dma_start3A_497, %dma_start3A_513, %dma_start3A_514] : memref<8x20x64xf32, #tpu.memory_space<vmem>> -> memref<1x20x64xf32, #tpu.memory_space<vmem>>
      %dma_start3A_516 = tpu.memref_squeeze %dma_start3A_515 : memref<1x20x64xf32, #tpu.memory_space<vmem>> -> memref<20x64xf32, #tpu.memory_space<vmem>>
      tpu.enqueue_dma source(%dma_start3A_516 : memref<20x64xf32, #tpu.memory_space<vmem>>) target(%dma_start3A_512 : memref<20x64xf32, #tpu.memory_space<hbm>>) target_semaphore(%dma_start3A_508 : memref<!tpu.dma_semaphore, #tpu.memory_space<semaphore_mem>>)
      %add3A_517 = arith.constant 8 : i32
      %add3A_518 = arith.addi %add3A_481, %add3A_517 : i32
      %lt3A_519 = arith.constant 512 : i32
      %lt3A_520 = arith.cmpi slt, %add3A_518, %lt3A_519 : i32
      %convert_element_type3A_521 = arith.extui %lt3A_520 : i1 to i32
      %cond3A_522 = arith.constant 0 : i32
      %cond3A_523 = arith.cmpi ne, %convert_element_type3A_521, %cond3A_522 : i32
      scf.if %cond3A_523 {
        %add3A_657 = arith.addi %mul3A_2, %add3A_481 : i32
        %dma_wait3A_658 = arith.constant 4 : i32
        %dma_wait3A_659 = arith.constant 4 : i32
        %dma_wait3A_660 = arith.constant 0 : i32
        %dma_wait3A_661 = arith.constant 0 : i32
        %dma_wait3A_662 = tpu.memref_slice %arg6[%dma_wait3A_658, %dma_wait3A_660, %dma_wait3A_661] : memref<8x20x64xf32, #tpu.memory_space<vmem>> -> memref<1x20x64xf32, #tpu.memory_space<vmem>>
        %dma_wait3A_663 = tpu.memref_squeeze %dma_wait3A_662 : memref<1x20x64xf32, #tpu.memory_space<vmem>> -> memref<20x64xf32, #tpu.memory_space<vmem>>
        %dma_wait3A_664 = arith.constant 0 : i32
        %dma_wait3A_665 = arith.constant 0 : i32
        %dma_wait3A_666 = tpu.memref_slice %arg4[%add3A_657, %dma_wait3A_664, %dma_wait3A_665] : memref<16384x24x128xf32, #tpu.memory_space<hbm>> -> memref<1x20x64xf32, #tpu.memory_space<hbm>>
        %dma_wait3A_667 = tpu.memref_squeeze %dma_wait3A_666 : memref<1x20x64xf32, #tpu.memory_space<hbm>> -> memref<20x64xf32, #tpu.memory_space<hbm>>
        %dma_wait3A_668 = tpu.memref_slice %arg8[%dma_wait3A_659] : memref<8x!tpu.dma_semaphore, #tpu.memory_space<semaphore_mem>> -> memref<1x!tpu.dma_semaphore, #tpu.memory_space<semaphore_mem>>
        %dma_wait3A_669 = tpu.memref_squeeze %dma_wait3A_668 : memref<1x!tpu.dma_semaphore, #tpu.memory_space<semaphore_mem>> -> memref<!tpu.dma_semaphore, #tpu.memory_space<semaphore_mem>>
        %dma_wait3A_670 = arith.constant 0 : i32
        %dma_wait3A_671 = arith.constant 0 : i32
        %dma_wait3A_672 = tpu.memref_slice %arg4[%add3A_657, %dma_wait3A_670, %dma_wait3A_671] : memref<16384x24x128xf32, #tpu.memory_space<hbm>> -> memref<1x20x64xf32, #tpu.memory_space<hbm>>
        %dma_wait3A_673 = tpu.memref_squeeze %dma_wait3A_672 : memref<1x20x64xf32, #tpu.memory_space<hbm>> -> memref<20x64xf32, #tpu.memory_space<hbm>>
        %dma_wait3A_674 = arith.constant 0 : i32
        %dma_wait3A_675 = arith.constant 0 : i32
        %dma_wait3A_676 = tpu.memref_slice %arg6[%dma_wait3A_658, %dma_wait3A_674, %dma_wait3A_675] : memref<8x20x64xf32, #tpu.memory_space<vmem>> -> memref<1x20x64xf32, #tpu.memory_space<vmem>>
        %dma_wait3A_677 = tpu.memref_squeeze %dma_wait3A_676 : memref<1x20x64xf32, #tpu.memory_space<vmem>> -> memref<20x64xf32, #tpu.memory_space<vmem>>
        tpu.wait_dma2 semaphore(%dma_wait3A_669 : memref<!tpu.dma_semaphore, #tpu.memory_space<semaphore_mem>>) src(%dma_wait3A_677 : memref<20x64xf32, #tpu.memory_space<vmem>>) dst(%dma_wait3A_673 : memref<20x64xf32, #tpu.memory_space<hbm>>)
        %dma_start3A_678 = arith.constant 4 : i32
        %dma_start3A_679 = arith.constant 4 : i32
        %dma_start3A_680 = arith.constant 0 : i32
        %dma_start3A_681 = arith.constant 0 : i32
        %dma_start3A_682 = tpu.memref_slice %arg6[%dma_start3A_678, %dma_start3A_680, %dma_start3A_681] : memref<8x20x64xf32, #tpu.memory_space<vmem>> -> memref<1x20x64xf32, #tpu.memory_space<vmem>>
        %dma_start3A_683 = tpu.memref_squeeze %dma_start3A_682 : memref<1x20x64xf32, #tpu.memory_space<vmem>> -> memref<20x64xf32, #tpu.memory_space<vmem>>
        %dma_start3A_684 = arith.constant 0 : i32
        %dma_start3A_685 = tpu.memref_slice %arg5[%add3A_518, %dma_start3A_684] : memref<512x20xi32, #tpu.memory_space<vmem>> -> memref<1x20xi32, #tpu.memory_space<vmem>>
        %dma_start3A_686 = tpu.memref_squeeze %dma_start3A_685 : memref<1x20xi32, #tpu.memory_space<vmem>> -> memref<20xi32, #tpu.memory_space<vmem>>
        %dma_start3A_687 = arith.constant 0 : i32
        %dma_start3A_688 = arith.constant 0 : i32
        %dma_start3A_689 = tpu.memref_slice %arg3[%dma_start3A_687, %dma_start3A_688] : memref<2000000x64xf32, #tpu.memory_space<hbm>> -> memref<2000000x64xf32, #tpu.memory_space<hbm>>
        %dma_start3A_690 = tpu.memref_slice %arg7[%dma_start3A_679] : memref<8x!tpu.dma_semaphore, #tpu.memory_space<semaphore_mem>> -> memref<1x!tpu.dma_semaphore, #tpu.memory_space<semaphore_mem>>
        %dma_start3A_691 = tpu.memref_squeeze %dma_start3A_690 : memref<1x!tpu.dma_semaphore, #tpu.memory_space<semaphore_mem>> -> memref<!tpu.dma_semaphore, #tpu.memory_space<semaphore_mem>>
        tpu.enqueue_indirect_dma source(%dma_start3A_689 : memref<2000000x64xf32, #tpu.memory_space<hbm>>) target(%dma_start3A_683 : memref<20x64xf32, #tpu.memory_space<vmem>>) offsets(%dma_start3A_686 : memref<20xi32, #tpu.memory_space<vmem>>) semaphore(%dma_start3A_691 : memref<!tpu.dma_semaphore, #tpu.memory_space<semaphore_mem>>)
      } else {
      }
      %add3A_524 = arith.constant 5 : i32
      %add3A_525 = arith.addi %mul3A_306, %add3A_524 : i32
      %dma_wait3A_526 = arith.constant 5 : i32
      %dma_wait3A_527 = arith.constant 5 : i32
      %dma_wait3A_528 = arith.constant 0 : i32
      %dma_wait3A_529 = arith.constant 0 : i32
      %dma_wait3A_530 = tpu.memref_slice %arg6[%dma_wait3A_526, %dma_wait3A_528, %dma_wait3A_529] : memref<8x20x64xf32, #tpu.memory_space<vmem>> -> memref<1x20x64xf32, #tpu.memory_space<vmem>>
      %dma_wait3A_531 = tpu.memref_squeeze %dma_wait3A_530 : memref<1x20x64xf32, #tpu.memory_space<vmem>> -> memref<20x64xf32, #tpu.memory_space<vmem>>
      %dma_wait3A_532 = arith.constant 0 : i32
      %dma_wait3A_533 = tpu.memref_slice %arg5[%add3A_525, %dma_wait3A_532] : memref<512x20xi32, #tpu.memory_space<vmem>> -> memref<1x20xi32, #tpu.memory_space<vmem>>
      %dma_wait3A_534 = tpu.memref_squeeze %dma_wait3A_533 : memref<1x20xi32, #tpu.memory_space<vmem>> -> memref<20xi32, #tpu.memory_space<vmem>>
      %dma_wait3A_535 = arith.constant 0 : i32
      %dma_wait3A_536 = arith.constant 0 : i32
      %dma_wait3A_537 = tpu.memref_slice %arg3[%dma_wait3A_535, %dma_wait3A_536] : memref<2000000x64xf32, #tpu.memory_space<hbm>> -> memref<2000000x64xf32, #tpu.memory_space<hbm>>
      %dma_wait3A_538 = tpu.memref_slice %arg7[%dma_wait3A_527] : memref<8x!tpu.dma_semaphore, #tpu.memory_space<semaphore_mem>> -> memref<1x!tpu.dma_semaphore, #tpu.memory_space<semaphore_mem>>
      %dma_wait3A_539 = tpu.memref_squeeze %dma_wait3A_538 : memref<1x!tpu.dma_semaphore, #tpu.memory_space<semaphore_mem>> -> memref<!tpu.dma_semaphore, #tpu.memory_space<semaphore_mem>>
      tpu.wait_indirect_dma semaphore(%dma_wait3A_539 : memref<!tpu.dma_semaphore, #tpu.memory_space<semaphore_mem>>) src(%dma_wait3A_537 : memref<2000000x64xf32, #tpu.memory_space<hbm>>) dst(%dma_wait3A_531 : memref<20x64xf32, #tpu.memory_space<vmem>>)
      %add3A_540 = arith.addi %mul3A_2, %add3A_525 : i32
      %dma_start3A_541 = arith.constant 5 : i32
      %dma_start3A_542 = arith.constant 5 : i32
      %dma_start3A_543 = arith.constant 0 : i32
      %dma_start3A_544 = arith.constant 0 : i32
      %dma_start3A_545 = tpu.memref_slice %arg6[%dma_start3A_541, %dma_start3A_543, %dma_start3A_544] : memref<8x20x64xf32, #tpu.memory_space<vmem>> -> memref<1x20x64xf32, #tpu.memory_space<vmem>>
      %dma_start3A_546 = tpu.memref_squeeze %dma_start3A_545 : memref<1x20x64xf32, #tpu.memory_space<vmem>> -> memref<20x64xf32, #tpu.memory_space<vmem>>
      %dma_start3A_547 = arith.constant 0 : i32
      %dma_start3A_548 = arith.constant 0 : i32
      %dma_start3A_549 = tpu.memref_slice %arg4[%add3A_540, %dma_start3A_547, %dma_start3A_548] : memref<16384x24x128xf32, #tpu.memory_space<hbm>> -> memref<1x20x64xf32, #tpu.memory_space<hbm>>
      %dma_start3A_550 = tpu.memref_squeeze %dma_start3A_549 : memref<1x20x64xf32, #tpu.memory_space<hbm>> -> memref<20x64xf32, #tpu.memory_space<hbm>>
      %dma_start3A_551 = tpu.memref_slice %arg8[%dma_start3A_542] : memref<8x!tpu.dma_semaphore, #tpu.memory_space<semaphore_mem>> -> memref<1x!tpu.dma_semaphore, #tpu.memory_space<semaphore_mem>>
      %dma_start3A_552 = tpu.memref_squeeze %dma_start3A_551 : memref<1x!tpu.dma_semaphore, #tpu.memory_space<semaphore_mem>> -> memref<!tpu.dma_semaphore, #tpu.memory_space<semaphore_mem>>
      %dma_start3A_553 = arith.constant 0 : i32
      %dma_start3A_554 = arith.constant 0 : i32
      %dma_start3A_555 = tpu.memref_slice %arg4[%add3A_540, %dma_start3A_553, %dma_start3A_554] : memref<16384x24x128xf32, #tpu.memory_space<hbm>> -> memref<1x20x64xf32, #tpu.memory_space<hbm>>
      %dma_start3A_556 = tpu.memref_squeeze %dma_start3A_555 : memref<1x20x64xf32, #tpu.memory_space<hbm>> -> memref<20x64xf32, #tpu.memory_space<hbm>>
      %dma_start3A_557 = arith.constant 0 : i32
      %dma_start3A_558 = arith.constant 0 : i32
      %dma_start3A_559 = tpu.memref_slice %arg6[%dma_start3A_541, %dma_start3A_557, %dma_start3A_558] : memref<8x20x64xf32, #tpu.memory_space<vmem>> -> memref<1x20x64xf32, #tpu.memory_space<vmem>>
      %dma_start3A_560 = tpu.memref_squeeze %dma_start3A_559 : memref<1x20x64xf32, #tpu.memory_space<vmem>> -> memref<20x64xf32, #tpu.memory_space<vmem>>
      tpu.enqueue_dma source(%dma_start3A_560 : memref<20x64xf32, #tpu.memory_space<vmem>>) target(%dma_start3A_556 : memref<20x64xf32, #tpu.memory_space<hbm>>) target_semaphore(%dma_start3A_552 : memref<!tpu.dma_semaphore, #tpu.memory_space<semaphore_mem>>)
      %add3A_561 = arith.constant 8 : i32
      %add3A_562 = arith.addi %add3A_525, %add3A_561 : i32
      %lt3A_563 = arith.constant 512 : i32
      %lt3A_564 = arith.cmpi slt, %add3A_562, %lt3A_563 : i32
      %convert_element_type3A_565 = arith.extui %lt3A_564 : i1 to i32
      %cond3A_566 = arith.constant 0 : i32
      %cond3A_567 = arith.cmpi ne, %convert_element_type3A_565, %cond3A_566 : i32
      scf.if %cond3A_567 {
        %add3A_657 = arith.addi %mul3A_2, %add3A_525 : i32
        %dma_wait3A_658 = arith.constant 5 : i32
        %dma_wait3A_659 = arith.constant 5 : i32
        %dma_wait3A_660 = arith.constant 0 : i32
        %dma_wait3A_661 = arith.constant 0 : i32
        %dma_wait3A_662 = tpu.memref_slice %arg6[%dma_wait3A_658, %dma_wait3A_660, %dma_wait3A_661] : memref<8x20x64xf32, #tpu.memory_space<vmem>> -> memref<1x20x64xf32, #tpu.memory_space<vmem>>
        %dma_wait3A_663 = tpu.memref_squeeze %dma_wait3A_662 : memref<1x20x64xf32, #tpu.memory_space<vmem>> -> memref<20x64xf32, #tpu.memory_space<vmem>>
        %dma_wait3A_664 = arith.constant 0 : i32
        %dma_wait3A_665 = arith.constant 0 : i32
        %dma_wait3A_666 = tpu.memref_slice %arg4[%add3A_657, %dma_wait3A_664, %dma_wait3A_665] : memref<16384x24x128xf32, #tpu.memory_space<hbm>> -> memref<1x20x64xf32, #tpu.memory_space<hbm>>
        %dma_wait3A_667 = tpu.memref_squeeze %dma_wait3A_666 : memref<1x20x64xf32, #tpu.memory_space<hbm>> -> memref<20x64xf32, #tpu.memory_space<hbm>>
        %dma_wait3A_668 = tpu.memref_slice %arg8[%dma_wait3A_659] : memref<8x!tpu.dma_semaphore, #tpu.memory_space<semaphore_mem>> -> memref<1x!tpu.dma_semaphore, #tpu.memory_space<semaphore_mem>>
        %dma_wait3A_669 = tpu.memref_squeeze %dma_wait3A_668 : memref<1x!tpu.dma_semaphore, #tpu.memory_space<semaphore_mem>> -> memref<!tpu.dma_semaphore, #tpu.memory_space<semaphore_mem>>
        %dma_wait3A_670 = arith.constant 0 : i32
        %dma_wait3A_671 = arith.constant 0 : i32
        %dma_wait3A_672 = tpu.memref_slice %arg4[%add3A_657, %dma_wait3A_670, %dma_wait3A_671] : memref<16384x24x128xf32, #tpu.memory_space<hbm>> -> memref<1x20x64xf32, #tpu.memory_space<hbm>>
        %dma_wait3A_673 = tpu.memref_squeeze %dma_wait3A_672 : memref<1x20x64xf32, #tpu.memory_space<hbm>> -> memref<20x64xf32, #tpu.memory_space<hbm>>
        %dma_wait3A_674 = arith.constant 0 : i32
        %dma_wait3A_675 = arith.constant 0 : i32
        %dma_wait3A_676 = tpu.memref_slice %arg6[%dma_wait3A_658, %dma_wait3A_674, %dma_wait3A_675] : memref<8x20x64xf32, #tpu.memory_space<vmem>> -> memref<1x20x64xf32, #tpu.memory_space<vmem>>
        %dma_wait3A_677 = tpu.memref_squeeze %dma_wait3A_676 : memref<1x20x64xf32, #tpu.memory_space<vmem>> -> memref<20x64xf32, #tpu.memory_space<vmem>>
        tpu.wait_dma2 semaphore(%dma_wait3A_669 : memref<!tpu.dma_semaphore, #tpu.memory_space<semaphore_mem>>) src(%dma_wait3A_677 : memref<20x64xf32, #tpu.memory_space<vmem>>) dst(%dma_wait3A_673 : memref<20x64xf32, #tpu.memory_space<hbm>>)
        %dma_start3A_678 = arith.constant 5 : i32
        %dma_start3A_679 = arith.constant 5 : i32
        %dma_start3A_680 = arith.constant 0 : i32
        %dma_start3A_681 = arith.constant 0 : i32
        %dma_start3A_682 = tpu.memref_slice %arg6[%dma_start3A_678, %dma_start3A_680, %dma_start3A_681] : memref<8x20x64xf32, #tpu.memory_space<vmem>> -> memref<1x20x64xf32, #tpu.memory_space<vmem>>
        %dma_start3A_683 = tpu.memref_squeeze %dma_start3A_682 : memref<1x20x64xf32, #tpu.memory_space<vmem>> -> memref<20x64xf32, #tpu.memory_space<vmem>>
        %dma_start3A_684 = arith.constant 0 : i32
        %dma_start3A_685 = tpu.memref_slice %arg5[%add3A_562, %dma_start3A_684] : memref<512x20xi32, #tpu.memory_space<vmem>> -> memref<1x20xi32, #tpu.memory_space<vmem>>
        %dma_start3A_686 = tpu.memref_squeeze %dma_start3A_685 : memref<1x20xi32, #tpu.memory_space<vmem>> -> memref<20xi32, #tpu.memory_space<vmem>>
        %dma_start3A_687 = arith.constant 0 : i32
        %dma_start3A_688 = arith.constant 0 : i32
        %dma_start3A_689 = tpu.memref_slice %arg3[%dma_start3A_687, %dma_start3A_688] : memref<2000000x64xf32, #tpu.memory_space<hbm>> -> memref<2000000x64xf32, #tpu.memory_space<hbm>>
        %dma_start3A_690 = tpu.memref_slice %arg7[%dma_start3A_679] : memref<8x!tpu.dma_semaphore, #tpu.memory_space<semaphore_mem>> -> memref<1x!tpu.dma_semaphore, #tpu.memory_space<semaphore_mem>>
        %dma_start3A_691 = tpu.memref_squeeze %dma_start3A_690 : memref<1x!tpu.dma_semaphore, #tpu.memory_space<semaphore_mem>> -> memref<!tpu.dma_semaphore, #tpu.memory_space<semaphore_mem>>
        tpu.enqueue_indirect_dma source(%dma_start3A_689 : memref<2000000x64xf32, #tpu.memory_space<hbm>>) target(%dma_start3A_683 : memref<20x64xf32, #tpu.memory_space<vmem>>) offsets(%dma_start3A_686 : memref<20xi32, #tpu.memory_space<vmem>>) semaphore(%dma_start3A_691 : memref<!tpu.dma_semaphore, #tpu.memory_space<semaphore_mem>>)
      } else {
      }
      %add3A_568 = arith.constant 6 : i32
      %add3A_569 = arith.addi %mul3A_306, %add3A_568 : i32
      %dma_wait3A_570 = arith.constant 6 : i32
      %dma_wait3A_571 = arith.constant 6 : i32
      %dma_wait3A_572 = arith.constant 0 : i32
      %dma_wait3A_573 = arith.constant 0 : i32
      %dma_wait3A_574 = tpu.memref_slice %arg6[%dma_wait3A_570, %dma_wait3A_572, %dma_wait3A_573] : memref<8x20x64xf32, #tpu.memory_space<vmem>> -> memref<1x20x64xf32, #tpu.memory_space<vmem>>
      %dma_wait3A_575 = tpu.memref_squeeze %dma_wait3A_574 : memref<1x20x64xf32, #tpu.memory_space<vmem>> -> memref<20x64xf32, #tpu.memory_space<vmem>>
      %dma_wait3A_576 = arith.constant 0 : i32
      %dma_wait3A_577 = tpu.memref_slice %arg5[%add3A_569, %dma_wait3A_576] : memref<512x20xi32, #tpu.memory_space<vmem>> -> memref<1x20xi32, #tpu.memory_space<vmem>>
      %dma_wait3A_578 = tpu.memref_squeeze %dma_wait3A_577 : memref<1x20xi32, #tpu.memory_space<vmem>> -> memref<20xi32, #tpu.memory_space<vmem>>
      %dma_wait3A_579 = arith.constant 0 : i32
      %dma_wait3A_580 = arith.constant 0 : i32
      %dma_wait3A_581 = tpu.memref_slice %arg3[%dma_wait3A_579, %dma_wait3A_580] : memref<2000000x64xf32, #tpu.memory_space<hbm>> -> memref<2000000x64xf32, #tpu.memory_space<hbm>>
      %dma_wait3A_582 = tpu.memref_slice %arg7[%dma_wait3A_571] : memref<8x!tpu.dma_semaphore, #tpu.memory_space<semaphore_mem>> -> memref<1x!tpu.dma_semaphore, #tpu.memory_space<semaphore_mem>>
      %dma_wait3A_583 = tpu.memref_squeeze %dma_wait3A_582 : memref<1x!tpu.dma_semaphore, #tpu.memory_space<semaphore_mem>> -> memref<!tpu.dma_semaphore, #tpu.memory_space<semaphore_mem>>
      tpu.wait_indirect_dma semaphore(%dma_wait3A_583 : memref<!tpu.dma_semaphore, #tpu.memory_space<semaphore_mem>>) src(%dma_wait3A_581 : memref<2000000x64xf32, #tpu.memory_space<hbm>>) dst(%dma_wait3A_575 : memref<20x64xf32, #tpu.memory_space<vmem>>)
      %add3A_584 = arith.addi %mul3A_2, %add3A_569 : i32
      %dma_start3A_585 = arith.constant 6 : i32
      %dma_start3A_586 = arith.constant 6 : i32
      %dma_start3A_587 = arith.constant 0 : i32
      %dma_start3A_588 = arith.constant 0 : i32
      %dma_start3A_589 = tpu.memref_slice %arg6[%dma_start3A_585, %dma_start3A_587, %dma_start3A_588] : memref<8x20x64xf32, #tpu.memory_space<vmem>> -> memref<1x20x64xf32, #tpu.memory_space<vmem>>
      %dma_start3A_590 = tpu.memref_squeeze %dma_start3A_589 : memref<1x20x64xf32, #tpu.memory_space<vmem>> -> memref<20x64xf32, #tpu.memory_space<vmem>>
      %dma_start3A_591 = arith.constant 0 : i32
      %dma_start3A_592 = arith.constant 0 : i32
      %dma_start3A_593 = tpu.memref_slice %arg4[%add3A_584, %dma_start3A_591, %dma_start3A_592] : memref<16384x24x128xf32, #tpu.memory_space<hbm>> -> memref<1x20x64xf32, #tpu.memory_space<hbm>>
      %dma_start3A_594 = tpu.memref_squeeze %dma_start3A_593 : memref<1x20x64xf32, #tpu.memory_space<hbm>> -> memref<20x64xf32, #tpu.memory_space<hbm>>
      %dma_start3A_595 = tpu.memref_slice %arg8[%dma_start3A_586] : memref<8x!tpu.dma_semaphore, #tpu.memory_space<semaphore_mem>> -> memref<1x!tpu.dma_semaphore, #tpu.memory_space<semaphore_mem>>
      %dma_start3A_596 = tpu.memref_squeeze %dma_start3A_595 : memref<1x!tpu.dma_semaphore, #tpu.memory_space<semaphore_mem>> -> memref<!tpu.dma_semaphore, #tpu.memory_space<semaphore_mem>>
      %dma_start3A_597 = arith.constant 0 : i32
      %dma_start3A_598 = arith.constant 0 : i32
      %dma_start3A_599 = tpu.memref_slice %arg4[%add3A_584, %dma_start3A_597, %dma_start3A_598] : memref<16384x24x128xf32, #tpu.memory_space<hbm>> -> memref<1x20x64xf32, #tpu.memory_space<hbm>>
      %dma_start3A_600 = tpu.memref_squeeze %dma_start3A_599 : memref<1x20x64xf32, #tpu.memory_space<hbm>> -> memref<20x64xf32, #tpu.memory_space<hbm>>
      %dma_start3A_601 = arith.constant 0 : i32
      %dma_start3A_602 = arith.constant 0 : i32
      %dma_start3A_603 = tpu.memref_slice %arg6[%dma_start3A_585, %dma_start3A_601, %dma_start3A_602] : memref<8x20x64xf32, #tpu.memory_space<vmem>> -> memref<1x20x64xf32, #tpu.memory_space<vmem>>
      %dma_start3A_604 = tpu.memref_squeeze %dma_start3A_603 : memref<1x20x64xf32, #tpu.memory_space<vmem>> -> memref<20x64xf32, #tpu.memory_space<vmem>>
      tpu.enqueue_dma source(%dma_start3A_604 : memref<20x64xf32, #tpu.memory_space<vmem>>) target(%dma_start3A_600 : memref<20x64xf32, #tpu.memory_space<hbm>>) target_semaphore(%dma_start3A_596 : memref<!tpu.dma_semaphore, #tpu.memory_space<semaphore_mem>>)
      %add3A_605 = arith.constant 8 : i32
      %add3A_606 = arith.addi %add3A_569, %add3A_605 : i32
      %lt3A_607 = arith.constant 512 : i32
      %lt3A_608 = arith.cmpi slt, %add3A_606, %lt3A_607 : i32
      %convert_element_type3A_609 = arith.extui %lt3A_608 : i1 to i32
      %cond3A_610 = arith.constant 0 : i32
      %cond3A_611 = arith.cmpi ne, %convert_element_type3A_609, %cond3A_610 : i32
      scf.if %cond3A_611 {
        %add3A_657 = arith.addi %mul3A_2, %add3A_569 : i32
        %dma_wait3A_658 = arith.constant 6 : i32
        %dma_wait3A_659 = arith.constant 6 : i32
        %dma_wait3A_660 = arith.constant 0 : i32
        %dma_wait3A_661 = arith.constant 0 : i32
        %dma_wait3A_662 = tpu.memref_slice %arg6[%dma_wait3A_658, %dma_wait3A_660, %dma_wait3A_661] : memref<8x20x64xf32, #tpu.memory_space<vmem>> -> memref<1x20x64xf32, #tpu.memory_space<vmem>>
        %dma_wait3A_663 = tpu.memref_squeeze %dma_wait3A_662 : memref<1x20x64xf32, #tpu.memory_space<vmem>> -> memref<20x64xf32, #tpu.memory_space<vmem>>
        %dma_wait3A_664 = arith.constant 0 : i32
        %dma_wait3A_665 = arith.constant 0 : i32
        %dma_wait3A_666 = tpu.memref_slice %arg4[%add3A_657, %dma_wait3A_664, %dma_wait3A_665] : memref<16384x24x128xf32, #tpu.memory_space<hbm>> -> memref<1x20x64xf32, #tpu.memory_space<hbm>>
        %dma_wait3A_667 = tpu.memref_squeeze %dma_wait3A_666 : memref<1x20x64xf32, #tpu.memory_space<hbm>> -> memref<20x64xf32, #tpu.memory_space<hbm>>
        %dma_wait3A_668 = tpu.memref_slice %arg8[%dma_wait3A_659] : memref<8x!tpu.dma_semaphore, #tpu.memory_space<semaphore_mem>> -> memref<1x!tpu.dma_semaphore, #tpu.memory_space<semaphore_mem>>
        %dma_wait3A_669 = tpu.memref_squeeze %dma_wait3A_668 : memref<1x!tpu.dma_semaphore, #tpu.memory_space<semaphore_mem>> -> memref<!tpu.dma_semaphore, #tpu.memory_space<semaphore_mem>>
        %dma_wait3A_670 = arith.constant 0 : i32
        %dma_wait3A_671 = arith.constant 0 : i32
        %dma_wait3A_672 = tpu.memref_slice %arg4[%add3A_657, %dma_wait3A_670, %dma_wait3A_671] : memref<16384x24x128xf32, #tpu.memory_space<hbm>> -> memref<1x20x64xf32, #tpu.memory_space<hbm>>
        %dma_wait3A_673 = tpu.memref_squeeze %dma_wait3A_672 : memref<1x20x64xf32, #tpu.memory_space<hbm>> -> memref<20x64xf32, #tpu.memory_space<hbm>>
        %dma_wait3A_674 = arith.constant 0 : i32
        %dma_wait3A_675 = arith.constant 0 : i32
        %dma_wait3A_676 = tpu.memref_slice %arg6[%dma_wait3A_658, %dma_wait3A_674, %dma_wait3A_675] : memref<8x20x64xf32, #tpu.memory_space<vmem>> -> memref<1x20x64xf32, #tpu.memory_space<vmem>>
        %dma_wait3A_677 = tpu.memref_squeeze %dma_wait3A_676 : memref<1x20x64xf32, #tpu.memory_space<vmem>> -> memref<20x64xf32, #tpu.memory_space<vmem>>
        tpu.wait_dma2 semaphore(%dma_wait3A_669 : memref<!tpu.dma_semaphore, #tpu.memory_space<semaphore_mem>>) src(%dma_wait3A_677 : memref<20x64xf32, #tpu.memory_space<vmem>>) dst(%dma_wait3A_673 : memref<20x64xf32, #tpu.memory_space<hbm>>)
        %dma_start3A_678 = arith.constant 6 : i32
        %dma_start3A_679 = arith.constant 6 : i32
        %dma_start3A_680 = arith.constant 0 : i32
        %dma_start3A_681 = arith.constant 0 : i32
        %dma_start3A_682 = tpu.memref_slice %arg6[%dma_start3A_678, %dma_start3A_680, %dma_start3A_681] : memref<8x20x64xf32, #tpu.memory_space<vmem>> -> memref<1x20x64xf32, #tpu.memory_space<vmem>>
        %dma_start3A_683 = tpu.memref_squeeze %dma_start3A_682 : memref<1x20x64xf32, #tpu.memory_space<vmem>> -> memref<20x64xf32, #tpu.memory_space<vmem>>
        %dma_start3A_684 = arith.constant 0 : i32
        %dma_start3A_685 = tpu.memref_slice %arg5[%add3A_606, %dma_start3A_684] : memref<512x20xi32, #tpu.memory_space<vmem>> -> memref<1x20xi32, #tpu.memory_space<vmem>>
        %dma_start3A_686 = tpu.memref_squeeze %dma_start3A_685 : memref<1x20xi32, #tpu.memory_space<vmem>> -> memref<20xi32, #tpu.memory_space<vmem>>
        %dma_start3A_687 = arith.constant 0 : i32
        %dma_start3A_688 = arith.constant 0 : i32
        %dma_start3A_689 = tpu.memref_slice %arg3[%dma_start3A_687, %dma_start3A_688] : memref<2000000x64xf32, #tpu.memory_space<hbm>> -> memref<2000000x64xf32, #tpu.memory_space<hbm>>
        %dma_start3A_690 = tpu.memref_slice %arg7[%dma_start3A_679] : memref<8x!tpu.dma_semaphore, #tpu.memory_space<semaphore_mem>> -> memref<1x!tpu.dma_semaphore, #tpu.memory_space<semaphore_mem>>
        %dma_start3A_691 = tpu.memref_squeeze %dma_start3A_690 : memref<1x!tpu.dma_semaphore, #tpu.memory_space<semaphore_mem>> -> memref<!tpu.dma_semaphore, #tpu.memory_space<semaphore_mem>>
        tpu.enqueue_indirect_dma source(%dma_start3A_689 : memref<2000000x64xf32, #tpu.memory_space<hbm>>) target(%dma_start3A_683 : memref<20x64xf32, #tpu.memory_space<vmem>>) offsets(%dma_start3A_686 : memref<20xi32, #tpu.memory_space<vmem>>) semaphore(%dma_start3A_691 : memref<!tpu.dma_semaphore, #tpu.memory_space<semaphore_mem>>)
      } else {
      }
      %add3A_612 = arith.constant 7 : i32
      %add3A_613 = arith.addi %mul3A_306, %add3A_612 : i32
      %dma_wait3A_614 = arith.constant 7 : i32
      %dma_wait3A_615 = arith.constant 7 : i32
      %dma_wait3A_616 = arith.constant 0 : i32
      %dma_wait3A_617 = arith.constant 0 : i32
      %dma_wait3A_618 = tpu.memref_slice %arg6[%dma_wait3A_614, %dma_wait3A_616, %dma_wait3A_617] : memref<8x20x64xf32, #tpu.memory_space<vmem>> -> memref<1x20x64xf32, #tpu.memory_space<vmem>>
      %dma_wait3A_619 = tpu.memref_squeeze %dma_wait3A_618 : memref<1x20x64xf32, #tpu.memory_space<vmem>> -> memref<20x64xf32, #tpu.memory_space<vmem>>
      %dma_wait3A_620 = arith.constant 0 : i32
      %dma_wait3A_621 = tpu.memref_slice %arg5[%add3A_613, %dma_wait3A_620] : memref<512x20xi32, #tpu.memory_space<vmem>> -> memref<1x20xi32, #tpu.memory_space<vmem>>
      %dma_wait3A_622 = tpu.memref_squeeze %dma_wait3A_621 : memref<1x20xi32, #tpu.memory_space<vmem>> -> memref<20xi32, #tpu.memory_space<vmem>>
      %dma_wait3A_623 = arith.constant 0 : i32
      %dma_wait3A_624 = arith.constant 0 : i32
      %dma_wait3A_625 = tpu.memref_slice %arg3[%dma_wait3A_623, %dma_wait3A_624] : memref<2000000x64xf32, #tpu.memory_space<hbm>> -> memref<2000000x64xf32, #tpu.memory_space<hbm>>
      %dma_wait3A_626 = tpu.memref_slice %arg7[%dma_wait3A_615] : memref<8x!tpu.dma_semaphore, #tpu.memory_space<semaphore_mem>> -> memref<1x!tpu.dma_semaphore, #tpu.memory_space<semaphore_mem>>
      %dma_wait3A_627 = tpu.memref_squeeze %dma_wait3A_626 : memref<1x!tpu.dma_semaphore, #tpu.memory_space<semaphore_mem>> -> memref<!tpu.dma_semaphore, #tpu.memory_space<semaphore_mem>>
      tpu.wait_indirect_dma semaphore(%dma_wait3A_627 : memref<!tpu.dma_semaphore, #tpu.memory_space<semaphore_mem>>) src(%dma_wait3A_625 : memref<2000000x64xf32, #tpu.memory_space<hbm>>) dst(%dma_wait3A_619 : memref<20x64xf32, #tpu.memory_space<vmem>>)
      %add3A_628 = arith.addi %mul3A_2, %add3A_613 : i32
      %dma_start3A_629 = arith.constant 7 : i32
      %dma_start3A_630 = arith.constant 7 : i32
      %dma_start3A_631 = arith.constant 0 : i32
      %dma_start3A_632 = arith.constant 0 : i32
      %dma_start3A_633 = tpu.memref_slice %arg6[%dma_start3A_629, %dma_start3A_631, %dma_start3A_632] : memref<8x20x64xf32, #tpu.memory_space<vmem>> -> memref<1x20x64xf32, #tpu.memory_space<vmem>>
      %dma_start3A_634 = tpu.memref_squeeze %dma_start3A_633 : memref<1x20x64xf32, #tpu.memory_space<vmem>> -> memref<20x64xf32, #tpu.memory_space<vmem>>
      %dma_start3A_635 = arith.constant 0 : i32
      %dma_start3A_636 = arith.constant 0 : i32
      %dma_start3A_637 = tpu.memref_slice %arg4[%add3A_628, %dma_start3A_635, %dma_start3A_636] : memref<16384x24x128xf32, #tpu.memory_space<hbm>> -> memref<1x20x64xf32, #tpu.memory_space<hbm>>
      %dma_start3A_638 = tpu.memref_squeeze %dma_start3A_637 : memref<1x20x64xf32, #tpu.memory_space<hbm>> -> memref<20x64xf32, #tpu.memory_space<hbm>>
      %dma_start3A_639 = tpu.memref_slice %arg8[%dma_start3A_630] : memref<8x!tpu.dma_semaphore, #tpu.memory_space<semaphore_mem>> -> memref<1x!tpu.dma_semaphore, #tpu.memory_space<semaphore_mem>>
      %dma_start3A_640 = tpu.memref_squeeze %dma_start3A_639 : memref<1x!tpu.dma_semaphore, #tpu.memory_space<semaphore_mem>> -> memref<!tpu.dma_semaphore, #tpu.memory_space<semaphore_mem>>
      %dma_start3A_641 = arith.constant 0 : i32
      %dma_start3A_642 = arith.constant 0 : i32
      %dma_start3A_643 = tpu.memref_slice %arg4[%add3A_628, %dma_start3A_641, %dma_start3A_642] : memref<16384x24x128xf32, #tpu.memory_space<hbm>> -> memref<1x20x64xf32, #tpu.memory_space<hbm>>
      %dma_start3A_644 = tpu.memref_squeeze %dma_start3A_643 : memref<1x20x64xf32, #tpu.memory_space<hbm>> -> memref<20x64xf32, #tpu.memory_space<hbm>>
      %dma_start3A_645 = arith.constant 0 : i32
      %dma_start3A_646 = arith.constant 0 : i32
      %dma_start3A_647 = tpu.memref_slice %arg6[%dma_start3A_629, %dma_start3A_645, %dma_start3A_646] : memref<8x20x64xf32, #tpu.memory_space<vmem>> -> memref<1x20x64xf32, #tpu.memory_space<vmem>>
      %dma_start3A_648 = tpu.memref_squeeze %dma_start3A_647 : memref<1x20x64xf32, #tpu.memory_space<vmem>> -> memref<20x64xf32, #tpu.memory_space<vmem>>
      tpu.enqueue_dma source(%dma_start3A_648 : memref<20x64xf32, #tpu.memory_space<vmem>>) target(%dma_start3A_644 : memref<20x64xf32, #tpu.memory_space<hbm>>) target_semaphore(%dma_start3A_640 : memref<!tpu.dma_semaphore, #tpu.memory_space<semaphore_mem>>)
      %add3A_649 = arith.constant 8 : i32
      %add3A_650 = arith.addi %add3A_613, %add3A_649 : i32
      %lt3A_651 = arith.constant 512 : i32
      %lt3A_652 = arith.cmpi slt, %add3A_650, %lt3A_651 : i32
      %convert_element_type3A_653 = arith.extui %lt3A_652 : i1 to i32
      %cond3A_654 = arith.constant 0 : i32
      %cond3A_655 = arith.cmpi ne, %convert_element_type3A_653, %cond3A_654 : i32
      scf.if %cond3A_655 {
        %add3A_657 = arith.addi %mul3A_2, %add3A_613 : i32
        %dma_wait3A_658 = arith.constant 7 : i32
        %dma_wait3A_659 = arith.constant 7 : i32
        %dma_wait3A_660 = arith.constant 0 : i32
        %dma_wait3A_661 = arith.constant 0 : i32
        %dma_wait3A_662 = tpu.memref_slice %arg6[%dma_wait3A_658, %dma_wait3A_660, %dma_wait3A_661] : memref<8x20x64xf32, #tpu.memory_space<vmem>> -> memref<1x20x64xf32, #tpu.memory_space<vmem>>
        %dma_wait3A_663 = tpu.memref_squeeze %dma_wait3A_662 : memref<1x20x64xf32, #tpu.memory_space<vmem>> -> memref<20x64xf32, #tpu.memory_space<vmem>>
        %dma_wait3A_664 = arith.constant 0 : i32
        %dma_wait3A_665 = arith.constant 0 : i32
        %dma_wait3A_666 = tpu.memref_slice %arg4[%add3A_657, %dma_wait3A_664, %dma_wait3A_665] : memref<16384x24x128xf32, #tpu.memory_space<hbm>> -> memref<1x20x64xf32, #tpu.memory_space<hbm>>
        %dma_wait3A_667 = tpu.memref_squeeze %dma_wait3A_666 : memref<1x20x64xf32, #tpu.memory_space<hbm>> -> memref<20x64xf32, #tpu.memory_space<hbm>>
        %dma_wait3A_668 = tpu.memref_slice %arg8[%dma_wait3A_659] : memref<8x!tpu.dma_semaphore, #tpu.memory_space<semaphore_mem>> -> memref<1x!tpu.dma_semaphore, #tpu.memory_space<semaphore_mem>>
        %dma_wait3A_669 = tpu.memref_squeeze %dma_wait3A_668 : memref<1x!tpu.dma_semaphore, #tpu.memory_space<semaphore_mem>> -> memref<!tpu.dma_semaphore, #tpu.memory_space<semaphore_mem>>
        %dma_wait3A_670 = arith.constant 0 : i32
        %dma_wait3A_671 = arith.constant 0 : i32
        %dma_wait3A_672 = tpu.memref_slice %arg4[%add3A_657, %dma_wait3A_670, %dma_wait3A_671] : memref<16384x24x128xf32, #tpu.memory_space<hbm>> -> memref<1x20x64xf32, #tpu.memory_space<hbm>>
        %dma_wait3A_673 = tpu.memref_squeeze %dma_wait3A_672 : memref<1x20x64xf32, #tpu.memory_space<hbm>> -> memref<20x64xf32, #tpu.memory_space<hbm>>
        %dma_wait3A_674 = arith.constant 0 : i32
        %dma_wait3A_675 = arith.constant 0 : i32
        %dma_wait3A_676 = tpu.memref_slice %arg6[%dma_wait3A_658, %dma_wait3A_674, %dma_wait3A_675] : memref<8x20x64xf32, #tpu.memory_space<vmem>> -> memref<1x20x64xf32, #tpu.memory_space<vmem>>
        %dma_wait3A_677 = tpu.memref_squeeze %dma_wait3A_676 : memref<1x20x64xf32, #tpu.memory_space<vmem>> -> memref<20x64xf32, #tpu.memory_space<vmem>>
        tpu.wait_dma2 semaphore(%dma_wait3A_669 : memref<!tpu.dma_semaphore, #tpu.memory_space<semaphore_mem>>) src(%dma_wait3A_677 : memref<20x64xf32, #tpu.memory_space<vmem>>) dst(%dma_wait3A_673 : memref<20x64xf32, #tpu.memory_space<hbm>>)
        %dma_start3A_678 = arith.constant 7 : i32
        %dma_start3A_679 = arith.constant 7 : i32
        %dma_start3A_680 = arith.constant 0 : i32
        %dma_start3A_681 = arith.constant 0 : i32
        %dma_start3A_682 = tpu.memref_slice %arg6[%dma_start3A_678, %dma_start3A_680, %dma_start3A_681] : memref<8x20x64xf32, #tpu.memory_space<vmem>> -> memref<1x20x64xf32, #tpu.memory_space<vmem>>
        %dma_start3A_683 = tpu.memref_squeeze %dma_start3A_682 : memref<1x20x64xf32, #tpu.memory_space<vmem>> -> memref<20x64xf32, #tpu.memory_space<vmem>>
        %dma_start3A_684 = arith.constant 0 : i32
        %dma_start3A_685 = tpu.memref_slice %arg5[%add3A_650, %dma_start3A_684] : memref<512x20xi32, #tpu.memory_space<vmem>> -> memref<1x20xi32, #tpu.memory_space<vmem>>
        %dma_start3A_686 = tpu.memref_squeeze %dma_start3A_685 : memref<1x20xi32, #tpu.memory_space<vmem>> -> memref<20xi32, #tpu.memory_space<vmem>>
        %dma_start3A_687 = arith.constant 0 : i32
        %dma_start3A_688 = arith.constant 0 : i32
        %dma_start3A_689 = tpu.memref_slice %arg3[%dma_start3A_687, %dma_start3A_688] : memref<2000000x64xf32, #tpu.memory_space<hbm>> -> memref<2000000x64xf32, #tpu.memory_space<hbm>>
        %dma_start3A_690 = tpu.memref_slice %arg7[%dma_start3A_679] : memref<8x!tpu.dma_semaphore, #tpu.memory_space<semaphore_mem>> -> memref<1x!tpu.dma_semaphore, #tpu.memory_space<semaphore_mem>>
        %dma_start3A_691 = tpu.memref_squeeze %dma_start3A_690 : memref<1x!tpu.dma_semaphore, #tpu.memory_space<semaphore_mem>> -> memref<!tpu.dma_semaphore, #tpu.memory_space<semaphore_mem>>
        tpu.enqueue_indirect_dma source(%dma_start3A_689 : memref<2000000x64xf32, #tpu.memory_space<hbm>>) target(%dma_start3A_683 : memref<20x64xf32, #tpu.memory_space<vmem>>) offsets(%dma_start3A_686 : memref<20xi32, #tpu.memory_space<vmem>>) semaphore(%dma_start3A_691 : memref<!tpu.dma_semaphore, #tpu.memory_space<semaphore_mem>>)
      } else {
      }
      %scan3A_656 = arith.constant 0 : i32
      scf.yield %scan3A_656 : i32
    }
    %scan3A_127 = arith.constant 64 : i32
    %add3A_128 = arith.constant 504 : i32
    %add3A_129 = arith.addi %mul3A_2, %add3A_128 : i32
    %dma_wait3A = arith.constant 0 : i32
    %dma_wait3A_130 = arith.constant 0 : i32
    %dma_wait3A_131 = arith.constant 0 : i32
    %dma_wait3A_132 = arith.constant 0 : i32
    %dma_wait3A_133 = tpu.memref_slice %arg6[%dma_wait3A, %dma_wait3A_131, %dma_wait3A_132] : memref<8x20x64xf32, #tpu.memory_space<vmem>> -> memref<1x20x64xf32, #tpu.memory_space<vmem>>
    %dma_wait3A_134 = tpu.memref_squeeze %dma_wait3A_133 : memref<1x20x64xf32, #tpu.memory_space<vmem>> -> memref<20x64xf32, #tpu.memory_space<vmem>>
    %dma_wait3A_135 = arith.constant 0 : i32
    %dma_wait3A_136 = arith.constant 0 : i32
    %dma_wait3A_137 = tpu.memref_slice %arg4[%add3A_129, %dma_wait3A_135, %dma_wait3A_136] : memref<16384x24x128xf32, #tpu.memory_space<hbm>> -> memref<1x20x64xf32, #tpu.memory_space<hbm>>
    %dma_wait3A_138 = tpu.memref_squeeze %dma_wait3A_137 : memref<1x20x64xf32, #tpu.memory_space<hbm>> -> memref<20x64xf32, #tpu.memory_space<hbm>>
    %dma_wait3A_139 = tpu.memref_slice %arg8[%dma_wait3A_130] : memref<8x!tpu.dma_semaphore, #tpu.memory_space<semaphore_mem>> -> memref<1x!tpu.dma_semaphore, #tpu.memory_space<semaphore_mem>>
    %dma_wait3A_140 = tpu.memref_squeeze %dma_wait3A_139 : memref<1x!tpu.dma_semaphore, #tpu.memory_space<semaphore_mem>> -> memref<!tpu.dma_semaphore, #tpu.memory_space<semaphore_mem>>
    %dma_wait3A_141 = arith.constant 0 : i32
    %dma_wait3A_142 = arith.constant 0 : i32
    %dma_wait3A_143 = tpu.memref_slice %arg4[%add3A_129, %dma_wait3A_141, %dma_wait3A_142] : memref<16384x24x128xf32, #tpu.memory_space<hbm>> -> memref<1x20x64xf32, #tpu.memory_space<hbm>>
    %dma_wait3A_144 = tpu.memref_squeeze %dma_wait3A_143 : memref<1x20x64xf32, #tpu.memory_space<hbm>> -> memref<20x64xf32, #tpu.memory_space<hbm>>
    %dma_wait3A_145 = arith.constant 0 : i32
    %dma_wait3A_146 = arith.constant 0 : i32
    %dma_wait3A_147 = tpu.memref_slice %arg6[%dma_wait3A, %dma_wait3A_145, %dma_wait3A_146] : memref<8x20x64xf32, #tpu.memory_space<vmem>> -> memref<1x20x64xf32, #tpu.memory_space<vmem>>
    %dma_wait3A_148 = tpu.memref_squeeze %dma_wait3A_147 : memref<1x20x64xf32, #tpu.memory_space<vmem>> -> memref<20x64xf32, #tpu.memory_space<vmem>>
    tpu.wait_dma2 semaphore(%dma_wait3A_140 : memref<!tpu.dma_semaphore, #tpu.memory_space<semaphore_mem>>) src(%dma_wait3A_148 : memref<20x64xf32, #tpu.memory_space<vmem>>) dst(%dma_wait3A_144 : memref<20x64xf32, #tpu.memory_space<hbm>>)
    %add3A_149 = arith.constant 505 : i32
    %add3A_150 = arith.addi %mul3A_2, %add3A_149 : i32
    %dma_wait3A_151 = arith.constant 1 : i32
    %dma_wait3A_152 = arith.constant 1 : i32
    %dma_wait3A_153 = arith.constant 0 : i32
    %dma_wait3A_154 = arith.constant 0 : i32
    %dma_wait3A_155 = tpu.memref_slice %arg6[%dma_wait3A_151, %dma_wait3A_153, %dma_wait3A_154] : memref<8x20x64xf32, #tpu.memory_space<vmem>> -> memref<1x20x64xf32, #tpu.memory_space<vmem>>
    %dma_wait3A_156 = tpu.memref_squeeze %dma_wait3A_155 : memref<1x20x64xf32, #tpu.memory_space<vmem>> -> memref<20x64xf32, #tpu.memory_space<vmem>>
    %dma_wait3A_157 = arith.constant 0 : i32
    %dma_wait3A_158 = arith.constant 0 : i32
    %dma_wait3A_159 = tpu.memref_slice %arg4[%add3A_150, %dma_wait3A_157, %dma_wait3A_158] : memref<16384x24x128xf32, #tpu.memory_space<hbm>> -> memref<1x20x64xf32, #tpu.memory_space<hbm>>
    %dma_wait3A_160 = tpu.memref_squeeze %dma_wait3A_159 : memref<1x20x64xf32, #tpu.memory_space<hbm>> -> memref<20x64xf32, #tpu.memory_space<hbm>>
    %dma_wait3A_161 = tpu.memref_slice %arg8[%dma_wait3A_152] : memref<8x!tpu.dma_semaphore, #tpu.memory_space<semaphore_mem>> -> memref<1x!tpu.dma_semaphore, #tpu.memory_space<semaphore_mem>>
    %dma_wait3A_162 = tpu.memref_squeeze %dma_wait3A_161 : memref<1x!tpu.dma_semaphore, #tpu.memory_space<semaphore_mem>> -> memref<!tpu.dma_semaphore, #tpu.memory_space<semaphore_mem>>
    %dma_wait3A_163 = arith.constant 0 : i32
    %dma_wait3A_164 = arith.constant 0 : i32
    %dma_wait3A_165 = tpu.memref_slice %arg4[%add3A_150, %dma_wait3A_163, %dma_wait3A_164] : memref<16384x24x128xf32, #tpu.memory_space<hbm>> -> memref<1x20x64xf32, #tpu.memory_space<hbm>>
    %dma_wait3A_166 = tpu.memref_squeeze %dma_wait3A_165 : memref<1x20x64xf32, #tpu.memory_space<hbm>> -> memref<20x64xf32, #tpu.memory_space<hbm>>
    %dma_wait3A_167 = arith.constant 0 : i32
    %dma_wait3A_168 = arith.constant 0 : i32
    %dma_wait3A_169 = tpu.memref_slice %arg6[%dma_wait3A_151, %dma_wait3A_167, %dma_wait3A_168] : memref<8x20x64xf32, #tpu.memory_space<vmem>> -> memref<1x20x64xf32, #tpu.memory_space<vmem>>
    %dma_wait3A_170 = tpu.memref_squeeze %dma_wait3A_169 : memref<1x20x64xf32, #tpu.memory_space<vmem>> -> memref<20x64xf32, #tpu.memory_space<vmem>>
    tpu.wait_dma2 semaphore(%dma_wait3A_162 : memref<!tpu.dma_semaphore, #tpu.memory_space<semaphore_mem>>) src(%dma_wait3A_170 : memref<20x64xf32, #tpu.memory_space<vmem>>) dst(%dma_wait3A_166 : memref<20x64xf32, #tpu.memory_space<hbm>>)
    %add3A_171 = arith.constant 506 : i32
    %add3A_172 = arith.addi %mul3A_2, %add3A_171 : i32
    %dma_wait3A_173 = arith.constant 2 : i32
    %dma_wait3A_174 = arith.constant 2 : i32
    %dma_wait3A_175 = arith.constant 0 : i32
    %dma_wait3A_176 = arith.constant 0 : i32
    %dma_wait3A_177 = tpu.memref_slice %arg6[%dma_wait3A_173, %dma_wait3A_175, %dma_wait3A_176] : memref<8x20x64xf32, #tpu.memory_space<vmem>> -> memref<1x20x64xf32, #tpu.memory_space<vmem>>
    %dma_wait3A_178 = tpu.memref_squeeze %dma_wait3A_177 : memref<1x20x64xf32, #tpu.memory_space<vmem>> -> memref<20x64xf32, #tpu.memory_space<vmem>>
    %dma_wait3A_179 = arith.constant 0 : i32
    %dma_wait3A_180 = arith.constant 0 : i32
    %dma_wait3A_181 = tpu.memref_slice %arg4[%add3A_172, %dma_wait3A_179, %dma_wait3A_180] : memref<16384x24x128xf32, #tpu.memory_space<hbm>> -> memref<1x20x64xf32, #tpu.memory_space<hbm>>
    %dma_wait3A_182 = tpu.memref_squeeze %dma_wait3A_181 : memref<1x20x64xf32, #tpu.memory_space<hbm>> -> memref<20x64xf32, #tpu.memory_space<hbm>>
    %dma_wait3A_183 = tpu.memref_slice %arg8[%dma_wait3A_174] : memref<8x!tpu.dma_semaphore, #tpu.memory_space<semaphore_mem>> -> memref<1x!tpu.dma_semaphore, #tpu.memory_space<semaphore_mem>>
    %dma_wait3A_184 = tpu.memref_squeeze %dma_wait3A_183 : memref<1x!tpu.dma_semaphore, #tpu.memory_space<semaphore_mem>> -> memref<!tpu.dma_semaphore, #tpu.memory_space<semaphore_mem>>
    %dma_wait3A_185 = arith.constant 0 : i32
    %dma_wait3A_186 = arith.constant 0 : i32
    %dma_wait3A_187 = tpu.memref_slice %arg4[%add3A_172, %dma_wait3A_185, %dma_wait3A_186] : memref<16384x24x128xf32, #tpu.memory_space<hbm>> -> memref<1x20x64xf32, #tpu.memory_space<hbm>>
    %dma_wait3A_188 = tpu.memref_squeeze %dma_wait3A_187 : memref<1x20x64xf32, #tpu.memory_space<hbm>> -> memref<20x64xf32, #tpu.memory_space<hbm>>
    %dma_wait3A_189 = arith.constant 0 : i32
    %dma_wait3A_190 = arith.constant 0 : i32
    %dma_wait3A_191 = tpu.memref_slice %arg6[%dma_wait3A_173, %dma_wait3A_189, %dma_wait3A_190] : memref<8x20x64xf32, #tpu.memory_space<vmem>> -> memref<1x20x64xf32, #tpu.memory_space<vmem>>
    %dma_wait3A_192 = tpu.memref_squeeze %dma_wait3A_191 : memref<1x20x64xf32, #tpu.memory_space<vmem>> -> memref<20x64xf32, #tpu.memory_space<vmem>>
    tpu.wait_dma2 semaphore(%dma_wait3A_184 : memref<!tpu.dma_semaphore, #tpu.memory_space<semaphore_mem>>) src(%dma_wait3A_192 : memref<20x64xf32, #tpu.memory_space<vmem>>) dst(%dma_wait3A_188 : memref<20x64xf32, #tpu.memory_space<hbm>>)
    %add3A_193 = arith.constant 507 : i32
    %add3A_194 = arith.addi %mul3A_2, %add3A_193 : i32
    %dma_wait3A_195 = arith.constant 3 : i32
    %dma_wait3A_196 = arith.constant 3 : i32
    %dma_wait3A_197 = arith.constant 0 : i32
    %dma_wait3A_198 = arith.constant 0 : i32
    %dma_wait3A_199 = tpu.memref_slice %arg6[%dma_wait3A_195, %dma_wait3A_197, %dma_wait3A_198] : memref<8x20x64xf32, #tpu.memory_space<vmem>> -> memref<1x20x64xf32, #tpu.memory_space<vmem>>
    %dma_wait3A_200 = tpu.memref_squeeze %dma_wait3A_199 : memref<1x20x64xf32, #tpu.memory_space<vmem>> -> memref<20x64xf32, #tpu.memory_space<vmem>>
    %dma_wait3A_201 = arith.constant 0 : i32
    %dma_wait3A_202 = arith.constant 0 : i32
    %dma_wait3A_203 = tpu.memref_slice %arg4[%add3A_194, %dma_wait3A_201, %dma_wait3A_202] : memref<16384x24x128xf32, #tpu.memory_space<hbm>> -> memref<1x20x64xf32, #tpu.memory_space<hbm>>
    %dma_wait3A_204 = tpu.memref_squeeze %dma_wait3A_203 : memref<1x20x64xf32, #tpu.memory_space<hbm>> -> memref<20x64xf32, #tpu.memory_space<hbm>>
    %dma_wait3A_205 = tpu.memref_slice %arg8[%dma_wait3A_196] : memref<8x!tpu.dma_semaphore, #tpu.memory_space<semaphore_mem>> -> memref<1x!tpu.dma_semaphore, #tpu.memory_space<semaphore_mem>>
    %dma_wait3A_206 = tpu.memref_squeeze %dma_wait3A_205 : memref<1x!tpu.dma_semaphore, #tpu.memory_space<semaphore_mem>> -> memref<!tpu.dma_semaphore, #tpu.memory_space<semaphore_mem>>
    %dma_wait3A_207 = arith.constant 0 : i32
    %dma_wait3A_208 = arith.constant 0 : i32
    %dma_wait3A_209 = tpu.memref_slice %arg4[%add3A_194, %dma_wait3A_207, %dma_wait3A_208] : memref<16384x24x128xf32, #tpu.memory_space<hbm>> -> memref<1x20x64xf32, #tpu.memory_space<hbm>>
    %dma_wait3A_210 = tpu.memref_squeeze %dma_wait3A_209 : memref<1x20x64xf32, #tpu.memory_space<hbm>> -> memref<20x64xf32, #tpu.memory_space<hbm>>
    %dma_wait3A_211 = arith.constant 0 : i32
    %dma_wait3A_212 = arith.constant 0 : i32
    %dma_wait3A_213 = tpu.memref_slice %arg6[%dma_wait3A_195, %dma_wait3A_211, %dma_wait3A_212] : memref<8x20x64xf32, #tpu.memory_space<vmem>> -> memref<1x20x64xf32, #tpu.memory_space<vmem>>
    %dma_wait3A_214 = tpu.memref_squeeze %dma_wait3A_213 : memref<1x20x64xf32, #tpu.memory_space<vmem>> -> memref<20x64xf32, #tpu.memory_space<vmem>>
    tpu.wait_dma2 semaphore(%dma_wait3A_206 : memref<!tpu.dma_semaphore, #tpu.memory_space<semaphore_mem>>) src(%dma_wait3A_214 : memref<20x64xf32, #tpu.memory_space<vmem>>) dst(%dma_wait3A_210 : memref<20x64xf32, #tpu.memory_space<hbm>>)
    %add3A_215 = arith.constant 508 : i32
    %add3A_216 = arith.addi %mul3A_2, %add3A_215 : i32
    %dma_wait3A_217 = arith.constant 4 : i32
    %dma_wait3A_218 = arith.constant 4 : i32
    %dma_wait3A_219 = arith.constant 0 : i32
    %dma_wait3A_220 = arith.constant 0 : i32
    %dma_wait3A_221 = tpu.memref_slice %arg6[%dma_wait3A_217, %dma_wait3A_219, %dma_wait3A_220] : memref<8x20x64xf32, #tpu.memory_space<vmem>> -> memref<1x20x64xf32, #tpu.memory_space<vmem>>
    %dma_wait3A_222 = tpu.memref_squeeze %dma_wait3A_221 : memref<1x20x64xf32, #tpu.memory_space<vmem>> -> memref<20x64xf32, #tpu.memory_space<vmem>>
    %dma_wait3A_223 = arith.constant 0 : i32
    %dma_wait3A_224 = arith.constant 0 : i32
    %dma_wait3A_225 = tpu.memref_slice %arg4[%add3A_216, %dma_wait3A_223, %dma_wait3A_224] : memref<16384x24x128xf32, #tpu.memory_space<hbm>> -> memref<1x20x64xf32, #tpu.memory_space<hbm>>
    %dma_wait3A_226 = tpu.memref_squeeze %dma_wait3A_225 : memref<1x20x64xf32, #tpu.memory_space<hbm>> -> memref<20x64xf32, #tpu.memory_space<hbm>>
    %dma_wait3A_227 = tpu.memref_slice %arg8[%dma_wait3A_218] : memref<8x!tpu.dma_semaphore, #tpu.memory_space<semaphore_mem>> -> memref<1x!tpu.dma_semaphore, #tpu.memory_space<semaphore_mem>>
    %dma_wait3A_228 = tpu.memref_squeeze %dma_wait3A_227 : memref<1x!tpu.dma_semaphore, #tpu.memory_space<semaphore_mem>> -> memref<!tpu.dma_semaphore, #tpu.memory_space<semaphore_mem>>
    %dma_wait3A_229 = arith.constant 0 : i32
    %dma_wait3A_230 = arith.constant 0 : i32
    %dma_wait3A_231 = tpu.memref_slice %arg4[%add3A_216, %dma_wait3A_229, %dma_wait3A_230] : memref<16384x24x128xf32, #tpu.memory_space<hbm>> -> memref<1x20x64xf32, #tpu.memory_space<hbm>>
    %dma_wait3A_232 = tpu.memref_squeeze %dma_wait3A_231 : memref<1x20x64xf32, #tpu.memory_space<hbm>> -> memref<20x64xf32, #tpu.memory_space<hbm>>
    %dma_wait3A_233 = arith.constant 0 : i32
    %dma_wait3A_234 = arith.constant 0 : i32
    %dma_wait3A_235 = tpu.memref_slice %arg6[%dma_wait3A_217, %dma_wait3A_233, %dma_wait3A_234] : memref<8x20x64xf32, #tpu.memory_space<vmem>> -> memref<1x20x64xf32, #tpu.memory_space<vmem>>
    %dma_wait3A_236 = tpu.memref_squeeze %dma_wait3A_235 : memref<1x20x64xf32, #tpu.memory_space<vmem>> -> memref<20x64xf32, #tpu.memory_space<vmem>>
    tpu.wait_dma2 semaphore(%dma_wait3A_228 : memref<!tpu.dma_semaphore, #tpu.memory_space<semaphore_mem>>) src(%dma_wait3A_236 : memref<20x64xf32, #tpu.memory_space<vmem>>) dst(%dma_wait3A_232 : memref<20x64xf32, #tpu.memory_space<hbm>>)
    %add3A_237 = arith.constant 509 : i32
    %add3A_238 = arith.addi %mul3A_2, %add3A_237 : i32
    %dma_wait3A_239 = arith.constant 5 : i32
    %dma_wait3A_240 = arith.constant 5 : i32
    %dma_wait3A_241 = arith.constant 0 : i32
    %dma_wait3A_242 = arith.constant 0 : i32
    %dma_wait3A_243 = tpu.memref_slice %arg6[%dma_wait3A_239, %dma_wait3A_241, %dma_wait3A_242] : memref<8x20x64xf32, #tpu.memory_space<vmem>> -> memref<1x20x64xf32, #tpu.memory_space<vmem>>
    %dma_wait3A_244 = tpu.memref_squeeze %dma_wait3A_243 : memref<1x20x64xf32, #tpu.memory_space<vmem>> -> memref<20x64xf32, #tpu.memory_space<vmem>>
    %dma_wait3A_245 = arith.constant 0 : i32
    %dma_wait3A_246 = arith.constant 0 : i32
    %dma_wait3A_247 = tpu.memref_slice %arg4[%add3A_238, %dma_wait3A_245, %dma_wait3A_246] : memref<16384x24x128xf32, #tpu.memory_space<hbm>> -> memref<1x20x64xf32, #tpu.memory_space<hbm>>
    %dma_wait3A_248 = tpu.memref_squeeze %dma_wait3A_247 : memref<1x20x64xf32, #tpu.memory_space<hbm>> -> memref<20x64xf32, #tpu.memory_space<hbm>>
    %dma_wait3A_249 = tpu.memref_slice %arg8[%dma_wait3A_240] : memref<8x!tpu.dma_semaphore, #tpu.memory_space<semaphore_mem>> -> memref<1x!tpu.dma_semaphore, #tpu.memory_space<semaphore_mem>>
    %dma_wait3A_250 = tpu.memref_squeeze %dma_wait3A_249 : memref<1x!tpu.dma_semaphore, #tpu.memory_space<semaphore_mem>> -> memref<!tpu.dma_semaphore, #tpu.memory_space<semaphore_mem>>
    %dma_wait3A_251 = arith.constant 0 : i32
    %dma_wait3A_252 = arith.constant 0 : i32
    %dma_wait3A_253 = tpu.memref_slice %arg4[%add3A_238, %dma_wait3A_251, %dma_wait3A_252] : memref<16384x24x128xf32, #tpu.memory_space<hbm>> -> memref<1x20x64xf32, #tpu.memory_space<hbm>>
    %dma_wait3A_254 = tpu.memref_squeeze %dma_wait3A_253 : memref<1x20x64xf32, #tpu.memory_space<hbm>> -> memref<20x64xf32, #tpu.memory_space<hbm>>
    %dma_wait3A_255 = arith.constant 0 : i32
    %dma_wait3A_256 = arith.constant 0 : i32
    %dma_wait3A_257 = tpu.memref_slice %arg6[%dma_wait3A_239, %dma_wait3A_255, %dma_wait3A_256] : memref<8x20x64xf32, #tpu.memory_space<vmem>> -> memref<1x20x64xf32, #tpu.memory_space<vmem>>
    %dma_wait3A_258 = tpu.memref_squeeze %dma_wait3A_257 : memref<1x20x64xf32, #tpu.memory_space<vmem>> -> memref<20x64xf32, #tpu.memory_space<vmem>>
    tpu.wait_dma2 semaphore(%dma_wait3A_250 : memref<!tpu.dma_semaphore, #tpu.memory_space<semaphore_mem>>) src(%dma_wait3A_258 : memref<20x64xf32, #tpu.memory_space<vmem>>) dst(%dma_wait3A_254 : memref<20x64xf32, #tpu.memory_space<hbm>>)
    %add3A_259 = arith.constant 510 : i32
    %add3A_260 = arith.addi %mul3A_2, %add3A_259 : i32
    %dma_wait3A_261 = arith.constant 6 : i32
    %dma_wait3A_262 = arith.constant 6 : i32
    %dma_wait3A_263 = arith.constant 0 : i32
    %dma_wait3A_264 = arith.constant 0 : i32
    %dma_wait3A_265 = tpu.memref_slice %arg6[%dma_wait3A_261, %dma_wait3A_263, %dma_wait3A_264] : memref<8x20x64xf32, #tpu.memory_space<vmem>> -> memref<1x20x64xf32, #tpu.memory_space<vmem>>
    %dma_wait3A_266 = tpu.memref_squeeze %dma_wait3A_265 : memref<1x20x64xf32, #tpu.memory_space<vmem>> -> memref<20x64xf32, #tpu.memory_space<vmem>>
    %dma_wait3A_267 = arith.constant 0 : i32
    %dma_wait3A_268 = arith.constant 0 : i32
    %dma_wait3A_269 = tpu.memref_slice %arg4[%add3A_260, %dma_wait3A_267, %dma_wait3A_268] : memref<16384x24x128xf32, #tpu.memory_space<hbm>> -> memref<1x20x64xf32, #tpu.memory_space<hbm>>
    %dma_wait3A_270 = tpu.memref_squeeze %dma_wait3A_269 : memref<1x20x64xf32, #tpu.memory_space<hbm>> -> memref<20x64xf32, #tpu.memory_space<hbm>>
    %dma_wait3A_271 = tpu.memref_slice %arg8[%dma_wait3A_262] : memref<8x!tpu.dma_semaphore, #tpu.memory_space<semaphore_mem>> -> memref<1x!tpu.dma_semaphore, #tpu.memory_space<semaphore_mem>>
    %dma_wait3A_272 = tpu.memref_squeeze %dma_wait3A_271 : memref<1x!tpu.dma_semaphore, #tpu.memory_space<semaphore_mem>> -> memref<!tpu.dma_semaphore, #tpu.memory_space<semaphore_mem>>
    %dma_wait3A_273 = arith.constant 0 : i32
    %dma_wait3A_274 = arith.constant 0 : i32
    %dma_wait3A_275 = tpu.memref_slice %arg4[%add3A_260, %dma_wait3A_273, %dma_wait3A_274] : memref<16384x24x128xf32, #tpu.memory_space<hbm>> -> memref<1x20x64xf32, #tpu.memory_space<hbm>>
    %dma_wait3A_276 = tpu.memref_squeeze %dma_wait3A_275 : memref<1x20x64xf32, #tpu.memory_space<hbm>> -> memref<20x64xf32, #tpu.memory_space<hbm>>
    %dma_wait3A_277 = arith.constant 0 : i32
    %dma_wait3A_278 = arith.constant 0 : i32
    %dma_wait3A_279 = tpu.memref_slice %arg6[%dma_wait3A_261, %dma_wait3A_277, %dma_wait3A_278] : memref<8x20x64xf32, #tpu.memory_space<vmem>> -> memref<1x20x64xf32, #tpu.memory_space<vmem>>
    %dma_wait3A_280 = tpu.memref_squeeze %dma_wait3A_279 : memref<1x20x64xf32, #tpu.memory_space<vmem>> -> memref<20x64xf32, #tpu.memory_space<vmem>>
    tpu.wait_dma2 semaphore(%dma_wait3A_272 : memref<!tpu.dma_semaphore, #tpu.memory_space<semaphore_mem>>) src(%dma_wait3A_280 : memref<20x64xf32, #tpu.memory_space<vmem>>) dst(%dma_wait3A_276 : memref<20x64xf32, #tpu.memory_space<hbm>>)
    %add3A_281 = arith.constant 511 : i32
    %add3A_282 = arith.addi %mul3A_2, %add3A_281 : i32
    %dma_wait3A_283 = arith.constant 7 : i32
    %dma_wait3A_284 = arith.constant 7 : i32
    %dma_wait3A_285 = arith.constant 0 : i32
    %dma_wait3A_286 = arith.constant 0 : i32
    %dma_wait3A_287 = tpu.memref_slice %arg6[%dma_wait3A_283, %dma_wait3A_285, %dma_wait3A_286] : memref<8x20x64xf32, #tpu.memory_space<vmem>> -> memref<1x20x64xf32, #tpu.memory_space<vmem>>
    %dma_wait3A_288 = tpu.memref_squeeze %dma_wait3A_287 : memref<1x20x64xf32, #tpu.memory_space<vmem>> -> memref<20x64xf32, #tpu.memory_space<vmem>>
    %dma_wait3A_289 = arith.constant 0 : i32
    %dma_wait3A_290 = arith.constant 0 : i32
    %dma_wait3A_291 = tpu.memref_slice %arg4[%add3A_282, %dma_wait3A_289, %dma_wait3A_290] : memref<16384x24x128xf32, #tpu.memory_space<hbm>> -> memref<1x20x64xf32, #tpu.memory_space<hbm>>
    %dma_wait3A_292 = tpu.memref_squeeze %dma_wait3A_291 : memref<1x20x64xf32, #tpu.memory_space<hbm>> -> memref<20x64xf32, #tpu.memory_space<hbm>>
    %dma_wait3A_293 = tpu.memref_slice %arg8[%dma_wait3A_284] : memref<8x!tpu.dma_semaphore, #tpu.memory_space<semaphore_mem>> -> memref<1x!tpu.dma_semaphore, #tpu.memory_space<semaphore_mem>>
    %dma_wait3A_294 = tpu.memref_squeeze %dma_wait3A_293 : memref<1x!tpu.dma_semaphore, #tpu.memory_space<semaphore_mem>> -> memref<!tpu.dma_semaphore, #tpu.memory_space<semaphore_mem>>
    %dma_wait3A_295 = arith.constant 0 : i32
    %dma_wait3A_296 = arith.constant 0 : i32
    %dma_wait3A_297 = tpu.memref_slice %arg4[%add3A_282, %dma_wait3A_295, %dma_wait3A_296] : memref<16384x24x128xf32, #tpu.memory_space<hbm>> -> memref<1x20x64xf32, #tpu.memory_space<hbm>>
    %dma_wait3A_298 = tpu.memref_squeeze %dma_wait3A_297 : memref<1x20x64xf32, #tpu.memory_space<hbm>> -> memref<20x64xf32, #tpu.memory_space<hbm>>
    %dma_wait3A_299 = arith.constant 0 : i32
    %dma_wait3A_300 = arith.constant 0 : i32
    %dma_wait3A_301 = tpu.memref_slice %arg6[%dma_wait3A_283, %dma_wait3A_299, %dma_wait3A_300] : memref<8x20x64xf32, #tpu.memory_space<vmem>> -> memref<1x20x64xf32, #tpu.memory_space<vmem>>
    %dma_wait3A_302 = tpu.memref_squeeze %dma_wait3A_301 : memref<1x20x64xf32, #tpu.memory_space<vmem>> -> memref<20x64xf32, #tpu.memory_space<vmem>>
    tpu.wait_dma2 semaphore(%dma_wait3A_294 : memref<!tpu.dma_semaphore, #tpu.memory_space<semaphore_mem>>) src(%dma_wait3A_302 : memref<20x64xf32, #tpu.memory_space<vmem>>) dst(%dma_wait3A_298 : memref<20x64xf32, #tpu.memory_space<hbm>>)
    return
  }
}

</mosaic_0001>

<sc_bundles>
// kernel: kernel.3.cloned.1.call-start
scs
__scs_entry_jumppad:
0x0: {  	(pc) =	sbr.rel $0x88, $3  }
0x1: {  	(tag) =	ssettag $0x0;
	lr =	simm.s32 $0x1  }
0x2: {  	[smem:$0x3F9F] =	sst lr;
	_ =	strace $0xD0000000  }
0x3: {  	_ = 	snop  }
0x4: {  	_ = 	snop  }
0x5: {  	_ = 	snop  }
0x6: {  	_ = 	snop  }
0x7: {  	_ = 	snop  }
__scs_overlays_trampoline_lowered:
0x8: {  	[smem:$0x3FAE] =	sst s0  }
0x9: {  	[smem:$0x3FAF] =	sst s1  }
0xa: {  	[smem:$0x3FB0] =	sst s2  }
0xb: {  	[smem:$0x3FB1] =	sst s3  }
0xc: {  	[smem:$0x3FB2] =	sst s4  }
0xd: {  	[smem:$0x3FB3] =	sst s5  }
0xe: {  	[smem:$0x3FB4] =	sst s6  }
0xf: {  	[smem:$0x3FB5] =	sst s7  }
0x10: {  	[smem:$0x3FB6] =	sst s8  }
0x11: {  	[smem:$0x3FB7] =	sst s9;
	s0 =	simm.s32 @!p0 $0x0  }
0x12: {  	s1 =	sld [smem:$0x3F9D];
	s0 =	simm.s32 @p0 $0x1  }
0x13: {  	[smem:$0x3FB8] =	sst s0;
	s0 =	simm.s32 @!p1 $0x0  }
0x14: {  	s2 =	sld [smem:$0x3F9C];
	s0 =	simm.s32 @p1 $0x1  }
0x15: {  	[smem:$0x3FB9] =	sst s0;
	s0 =	simm.s32 @!p2 $0x0  }
0x16: {  	s3 =	sld [smem:$0x3FDB];
	s0 =	simm.s32 @p2 $0x1  }
0x17: {  	s4 =	simm.s32 $0x1BF5;
	[smem:$0x3FBB] =	sst s0  }
0x18: {  	s0 =	sld [smem:$0x3F9E];
	_ =	swait.ge [sflag:s4], $0x0  }
0x19: {  	s7 =	sld [smem:$0x3F9F]  }
0x1a: {  	s8 =	sadd.s32 $0xFFFFE003, lr  }
0x1b: {  	s9 =	sadd.s32 $0xFFFFFEF7, lr;
	s5 =	simm.s32 $0xFFFFFFFF;
	p2 =	slt.u32 s8, $0xFFFFF086  }
0x1c: {  	p1 =	slt.u32 s9, $0xF7A;
	s5 =	simm.s32 @!p2 $0x0  }
0x1d: {  	s5 =	simm.s32 @p1 $0x1;
	p0 =	seq.s32 s7, s2  }
0x1e: {  	s7 =	smul.u32 @!p0 $0xF7A, s2;
	p2 =	seq.s32 @!p0 s5, $0x0  }
0x1f: {  	s9 =	smul.u32 $0xF7A, s1;
	s8 =	simm.s32 @!p0 $0x1BF5;
	p2 =	por !p2, p0  }
0x20: {  	[sflag:s8] =	ssyncset.s32 @!p0 $0xFFFFF086;
	s6 =	sadd.s32 @!p0 s3, s7;
	s7 =	simm.s32 @!p0 $0x108  }
0x21: {  	s3 =	sadd.s32 s3, s9;
	s6 =	sadd.s32 @!p0 $0x88, s6;
	s7 =	simm.s32 @p2 $0x1082  }
0x22: {  	[simem:s7], [sflag:s8] =	dma.local @!p0 [hbm:s6], $0xF7A  }
0x23: {  	s9 =	sor.u32 $0xD0000000, s2;
	s6 =	simm.s32 $0x108;
	_ =	swait.ge @!p0 [sflag:s8], $0x0  }
0x24: {  	s3 =	sadd.s32 $0x88, s3;
	s6 =	simm.s32 @!p1 $0x1082;
	[sflag:s4] =	ssyncset.s32 $0xFFFFF086  }
0x25: {  	[simem:s6], [sflag:s4] =	dma.local [hbm:s3], $0xF7A  }
0x26: {  	[smem:$0x3F9F] =	sst s1;
	(tag) =	ssettag s2;
	_ =	strace s9  }
0x27: {  	s1 =	sld [smem:$0x3FAF]  }
0x28: {  	s2 =	sld [smem:$0x3FB0]  }
0x29: {  	s4 =	sld [smem:$0x3FB2]  }
0x2a: {  	p0 =	seq.s32 s5, $0x0;
	s5 =	sld [smem:$0x3FB3]  }
0x2b: {  	s6 =	sld [smem:$0x3FB4]  }
0x2c: {  	s7 =	sld [smem:$0x3FB5]  }
0x2d: {  	s3 =	simm.s32 $0x108;
	s8 =	sld [smem:$0x3FB6]  }
0x2e: {  	s3 =	simm.s32 @!p0 $0x1082;
	s9 =	sld [smem:$0x3FB7]  }
0x2f: {  	lr =	sadd.s32 s0, s3;
	s0 =	sld [smem:$0x3FAE]  }
0x30: {  	s3 =	sld [smem:$0x3FB1]  }
0x31: {  	[smem:$0x3FBA] =	sst s10  }
0x32: {  	s10 =	sld [smem:$0x3FB8];
	_ =	sdelay $0x3  }
0x33: {  	p0 =	seq.s32 s10, $0x1;
	s10 =	sld [smem:$0x3FBA];
	_ =	sdelay $0x3  }
0x34: {  	[smem:$0x3FBA] =	sst s10  }
0x35: {  	s10 =	sld [smem:$0x3FB9];
	_ =	sdelay $0x3  }
0x36: {  	p1 =	seq.s32 s10, $0x1;
	s10 =	sld [smem:$0x3FBA];
	_ =	sdelay $0x3  }
0x37: {  	[smem:$0x3FBA] =	sst s10  }
0x38: {  	s10 =	sld [smem:$0x3FBB]  }
0x39: {  	_ = 	snop;
	(pc) =	sbr.ind lr, $3  }
0x3a: {  	_ = 	snop  }
0x3b: {  	_ = 	snop  }
0x3c: {  	p2 =	seq.s32 s10, $0x1;
	s10 =	sld [smem:$0x3FBA]  }
0x3d: {  	_ =	shalt  }
0x3e: {  	_ =	shalt  }
0x3f: {  	_ =	shalt  }
0x40: {  	_ =	shalt  }
0x41: {  	_ =	shalt  }
0x42: {  	_ =	shalt  }
0x43: {  	_ =	shalt  }
0x44: {  	_ =	shalt  }
0x45: {  	_ =	shalt  }
0x46: {  	_ =	shalt  }
0x47: {  	_ =	shalt  }
0x48: {  	_ =	shalt  }
0x49: {  	_ =	shalt  }
0x4a: {  	_ =	shalt  }
0x4b: {  	_ =	shalt  }
0x4c: {  	_ =	shalt  }
0x4d: {  	_ =	shalt  }
0x4e: {  	_ =	shalt  }
0x4f: {  	_ =	shalt  }
0x50: {  	_ =	shalt  }
0x51: {  	_ =	shalt  }
0x52: {  	_ =	shalt  }
0x53: {  	_ =	shalt  }
0x54: {  	_ =	shalt  }
0x55: {  	_ =	shalt  }
0x56: {  	_ =	shalt  }
0x57: {  	_ =	shalt  }
0x58: {  	_ =	shalt  }
0x59: {  	_ =	shalt  }
0x5a: {  	_ =	shalt  }
0x5b: {  	_ =	shalt  }
0x5c: {  	_ =	shalt  }
0x5d: {  	_ =	shalt  }
0x5e: {  	_ =	shalt  }
0x5f: {  	_ =	shalt  }
0x60: {  	_ =	shalt  }
0x61: {  	_ =	shalt  }
0x62: {  	_ =	shalt  }
0x63: {  	_ =	shalt  }
0x64: {  	_ =	shalt  }
0x65: {  	_ =	shalt  }
0x66: {  	_ =	shalt  }
0x67: {  	_ =	shalt  }
0x68: {  	_ =	shalt  }
0x69: {  	_ =	shalt  }
0x6a: {  	_ =	shalt  }
0x6b: {  	_ =	shalt  }
0x6c: {  	_ =	shalt  }
0x6d: {  	_ =	shalt  }
0x6e: {  	_ =	shalt  }
0x6f: {  	_ =	shalt  }
0x70: {  	_ =	shalt  }
0x71: {  	_ =	shalt  }
0x72: {  	_ =	shalt  }
0x73: {  	_ =	shalt  }
0x74: {  	_ =	shalt  }
0x75: {  	_ =	shalt  }
0x76: {  	_ =	shalt  }
0x77: {  	_ =	shalt  }
0x78: {  	_ =	shalt  }
0x79: {  	_ =	shalt  }
0x7a: {  	_ =	shalt  }
0x7b: {  	_ =	shalt  }
0x7c: {  	_ =	shalt  }
0x7d: {  	_ =	shalt  }
0x7e: {  	_ =	shalt  }
0x7f: {  	_ =	shalt  }
0x80: {  	_ =	shalt  }
0x81: {  	_ =	shalt  }
0x82: {  	_ =	shalt  }
0x83: {  	_ =	shalt  }
0x84: {  	_ =	shalt  }
0x85: {  	_ =	shalt  }
0x86: {  	_ =	shalt  }
0x87: {  	_ =	shalt  }
.Lfunc_end0:
.L_simem_size_0:
called_computation.2_lowered:
.L_overlay_start_0:
0x88: {  	s2 =	sld [smem:$0x3FD9]  }
0x89: {  	s3 =	sld [smem:$0x3FFE];
	_ =	sdelay $0x1  }
0x8a: {  	s1 =	srdreg.scid  }
0x8b: {  	s0 =	sand.u32 $0x1, s1  }
0x8c: {  	s17 =	sshll.u32 s0, $0xA;
	s2 =	sadd.s32 s3, s2  }
0x8d: {  	s2 =	sadd.s32 s2, s17  }
0x8e: {  	[smem:$0x3FC6] =	sst s2  }
0x8f: {  	_ = 	snop  }
0x90: {  	s2 =	sld [smem:$0x3FD0];
	(tm) =	ssettm $0x1  }
0x91: {  	s18 =	sld [smem:$0x3FFB];
	_ =	sdelay $0x3  }
0x92: {  	_ =	strace s18  }
0x93: {  	s3 =	sld [smem:$0x3FFC];
	_ =	sdelay $0x3  }
0x94: {  	_ =	strace s3  }
0x95: {  	s3 =	sld [smem:$0x3FFD];
	_ =	sdelay $0x3  }
0x96: {  	_ =	strace s3  }
0x97: {  	_ =	strace $0x8FFFFFFF  }
0x98: {  	s19 =	sld [smem:$0x3FDB];
	_ =	sdelay $0x1  }
0x99: {  	s4 =	simm.s32 $_scs_section_size  }
0x9a: {  	s5 =	simm.s32 $_size__tile_overlayer_lowered;
	s6 =	simm.s32 $_tile_overlayer_lowered  }
0x9b: {  	s22 =	simm.s32 $0x1BFF;
	s21 =	sshll.u32 s6, $0x1;
	s3 =	sadd.s32 s4, s19  }
0x9c: {  	s7 =	simm.s32 $0x0;
	s20 =	sshll.u32 s5, $0x1;
	s5 =	sadd.s32 s21, s3  }
0x9d: {  	[timem:s7], [sflag:s22] =	dma.local [hbm:s5], s20  }
0x9e: {  	_ =	swait.ge [sflag:s22], s20  }
0x9f: {  	s4 =	ssub.s32 $0x0, s20;
	[sflag:s22] =	ssyncset.done $0x0  }
0xa0: {  	[sflag:s22] =	ssyncadd.s32 s4;
	_ =	sdelay $0x1  }
0xa1: {  	s23 =	simm.s32 $0x1B8B  }
0xa2: {  	_ =	swait.ge [sflag:s23], $0x1  }
0xa3: {  	[sflag:s23] =	ssyncset.done $0x0  }
0xa4: {  	s25 =	simm.s32 $0x1B8E;
	s24 =	sld [smem:$0x3FFE];
	[sflag:s23] =	ssyncadd.s32 $0xFFFFFFFF  }
0xa5: {  	s26 =	simm.s32 $execute0_lowered;
	[smem:$0x3FD2] =	sst s25  }
0xa6: {  	s5 =	sshll.u32 s26, $0x1;
	_ =	strace $0x80000049;
	[dreg:$0x1] =	wrdreg $0xFFFFFFFF  }
0xa7: {  	s28 =	simm.s32 $_size_execute0_lowered;
	s3 =	sadd.s32 s3, s5;
	[dreg:$0x0] =	wrdreg $0x0  }
0xa8: {  	s5 =	sshll.u32 s28, $0x1;
	[dreg:$0x2] =	wrdreg s3  }
0xa9: {  	[dreg:$0x3] =	wrdreg s5  }
0xaa: {  	[dreg:$0x4] =	wrdreg $0xC0  }
0xab: {  	_ =	task [dreg:s7], $0x5FFFF  }
0xac: {  	[dreg:$0x1] =	wrdreg $0xFFFFFFFF  }
0xad: {  	[dreg:$0x0] =	wrdreg $0x60  }
0xae: {  	[dreg:$0x2] =	wrdreg s2  }
0xaf: {  	[dreg:$0x3] =	wrdreg s24  }
0xb0: {  	[dreg:$0x4] =	wrdreg $0x9  }
0xb1: {  	_ =	task.clear_ibuf [dreg:s7], $0x5FFFF;
	_ =	strace $0x90000049  }
0xb2: {  	s29 =	simm.s32 $0x9;
	_ =	strace $0x8000004B  }
0xb3: {  	_ =	swait.ge [sflag:s29], $0x1  }
0xb4: {  	[sflag:s29] =	ssyncadd.s32 $0xFFFFFFFF  }
0xb5: {  	_ =	strace $0x9000004B  }
0xb6: {  	_ =	sfence  }
0xb7: {  	s30 =	sld [smem:$0x0];
	_ =	sdelay $0x2  }
0xb8: {  	s31 =	sshll.u32 s1, $0xD;
	s1 =	sshrl.u32 s1, $0x2  }
0xb9: {  	s3 =	sand.u32 $0x4000, s31;
	s1 =	sadd.s32 s1, s30  }
0xba: {  	s0 =	sor.u32 s3, s0;
	s1 =	sshll.u32 s1, $0x11  }
0xbb: {  	s0 =	sor.u32 s1, s0  }
0xbc: {  	s0 =	sadd.s32 $0x8F2B, s0  }
0xbd: {  	[sflag:s0] =	ssyncadd.remote.s32 $0x1  }
0xbe: {  	_ =	sfence.sel $0xFFFF  }
0xbf: {  	[dreg:$0x0] =	wrdreg $0xFFFFFFFF;
	(pc) =	sbr.abs _section_cstart, $3  }
0xc0: {  	[dreg:$0x1] =	wrdreg $0xFFFFFFFF  }
0xc1: {  	_ =	task.clear_ibuf [dreg:s7], $0x2FFFF;
	_ =	strace $0x9FFFFFFF  }
0xc2: {  	(tm) =	ssettm $0x7FFFFFFF  }
0xc3: {  	_ =	shalt  }
tec
execute0_lowered:
.L_overlay_start_1:
0x0: {  	(tag) =	ssettag $0x1  }
0x1: {  	s0 =	rddreg [dreg:$0x0]  }
0x2: {  	s1 =	rddreg [dreg:$0x1];
	s2 =	simm.s32 $0x0  }
0x3: {  	s22 =	srdreg.scid;
	s4 =	stileid.u32;
	s8 =	simm.s32 $0x14  }
0x4: {  	s9 =	simm.s32 $0x3000;
	s11 =	simm.s32 $0x3500;
	s13 =	simm.s32 $0x3A00  }
0x5: {  	s15 =	simm.s32 $0x3F00;
	s17 =	simm.s32 $0x4400;
	s19 =	simm.s32 $0x4900  }
0x6: {  	s21 =	simm.s32 $0x4E00;
	s28 =	simm.s32 $0x2;
	s29 =	simm.s32 $0x3  }
0x7: {  	s30 =	simm.s32 $0x4;
	s31 =	simm.s32 $0x5;
	s10 =	simm.s32 $0x8  }
0x8: {  	s20 =	simm.s32 $0xD;
	[smem:$0x7FF] =	sst s2;
	s2 =	sand.u32 $0x1, s22  }
0x9: {  	s3 =	smul.u32 $0x60000, s4;
	s4 =	sshll.u32 s4, $0xA;
	s22 =	simm.s32 $0xE  }
0xa: {  	_ =	strace $0x8000004A;
	s5 =	sshll.u32 s2, $0x9;
	s6 =	ssub.s32 $0x2, s2  }
0xb: {  	s2 =	smul.u32 $0x30000, s2;
	s4 =	sor.u32 s5, s4;
	s23 =	sadd.s32 s3, s1  }
0xc: {  	s7 =	sshrl.u32 s6, $0x1;
	s3 =	sadd.s32 $0xF43200, s1;
	s1 =	simm.s32 $0x7  }
0xd: {  	s5 =	simm.s32 $0x0;
	s4 =	smul.u32 $0x3, s4;
	s24 =	ssub.s32 s6, s7  }
.Ltmp0:
0xe: {  	s2 =	sadd.s32 s2, s23;
	s23 =	simm.s32 $0x5300;
	(pc) =	sbr.rel .LBB2_1-.Ltmp0, $4  }
0xf: {  	s25 =	smax.u32 s24, $0x1;
	s26 =	sadd.s32 $0xE00, s2;
	s24 =	simm.s32 $0x1  }
0x10: {  	s2 =	simm.s32 $0xF;
	s0 =	sadd.s32 s0, s4;
	[dreg:$0x4] =	wrdreg s25  }
0x11: {  	[dreg:$0x5] =	wrdreg s26;
	s25 =	simm.s32 $0x40;
	s26 =	simm.s32 $0x80  }
0x12: {  	s4 =	simm.s32 $0x10;
	[dreg:$0x3] =	wrdreg s0;
	s0 =	simm.s32 $0x6  }
.LBB2_4:
0x13: {  	s6 =	simm.s32 $0x9  }
0x14: {  	_ =	swait.ge [sflag:s6], $0x500  }
0x15: {  	[sflag:s6] =	ssyncset.done $0x0  }
0x16: {  	s12 =	simm.s32 $0xA;
	[sflag:s6] =	ssyncadd.s32 $0xFFFFFB00  }
0x17: {  	_ =	swait.ge [sflag:s12], $0x500  }
0x18: {  	[sflag:s12] =	ssyncset.done $0x0  }
0x19: {  	s14 =	simm.s32 $0xB;
	[sflag:s12] =	ssyncadd.s32 $0xFFFFFB00  }
0x1a: {  	_ =	swait.ge [sflag:s14], $0x500  }
0x1b: {  	[sflag:s14] =	ssyncset.done $0x0  }
0x1c: {  	s16 =	simm.s32 $0xC;
	[sflag:s14] =	ssyncadd.s32 $0xFFFFFB00  }
0x1d: {  	_ =	swait.ge [sflag:s16], $0x500  }
0x1e: {  	[sflag:s16] =	ssyncset.done $0x0  }
0x1f: {  	[sflag:s16] =	ssyncadd.s32 $0xFFFFFB00  }
0x20: {  	_ =	swait.ge [sflag:s20], $0x500  }
0x21: {  	[sflag:s20] =	ssyncset.done $0x0  }
0x22: {  	[sflag:s20] =	ssyncadd.s32 $0xFFFFFB00  }
0x23: {  	_ =	swait.ge [sflag:s22], $0x500  }
0x24: {  	[sflag:s22] =	ssyncset.done $0x0  }
0x25: {  	[sflag:s22] =	ssyncadd.s32 $0xFFFFFB00  }
0x26: {  	_ =	swait.ge [sflag:s2], $0x500  }
0x27: {  	[sflag:s2] =	ssyncset.done $0x0  }
0x28: {  	[sflag:s2] =	ssyncadd.s32 $0xFFFFFB00  }
0x29: {  	_ =	swait.ge [sflag:s4], $0x500  }
0x2a: {  	s5 =	sadd.s32 $0x1, s5;
	s18 =	rddreg [dreg:$0x4]  }
0x2b: {  	p0 =	sne.s32 s5, s18  }
.Ltmp1:
0x2c: {  	_ = 	snop;
	(pc) =	sbr.rel @!p0 .LBB2_5-.Ltmp1, $3  }
0x2d: {  	_ =	sdelay $0x1  }
0x2e: {  	[sflag:s4] =	ssyncset.done $0x0  }
0x2f: {  	[sflag:s4] =	ssyncadd.s32 $0xFFFFFB00  }
.LBB2_1:
0x30: {  	s6 =	simm.s32 $0x0;
	s7 =	rddreg [dreg:$0x3];
	s14 =	simm.s32 $0x11  }
0x31: {  	[tilespmem:s6], [sflag:$0x11] =	stream.linear.gather [hbm4b:s7+s6], $0x3000, $0x38;
	[tilespmem:$0x5800] =	vst v63  }
0x32: {  	_ =	swait.ge [sflag:s14], $0x3000  }
0x33: {  	[sflag:s14] =	ssyncset.done $0x0  }
0x34: {  	[sflag:s14] =	ssyncadd.s32 $0xFFFFD000  }
0x35: {  	[tilespmem:s9], [sflag:$0x1] =	stream.indirect.gather [hbm4b:s3+s8], $0x40, s6, s8, $0xb8;
	[tilespmem:$0x5800] =	vst v63  }
0x36: {  	s16 =	simm.s32 $0x18  }
0x37: {  	[tilespmem:s11], [sflag:$0x2] =	stream.indirect.gather [hbm4b:s3+s8], $0x40, s16, s8, $0xb8;
	[tilespmem:$0x5800] =	vst v63  }
0x38: {  	s18 =	simm.s32 $0x30  }
0x39: {  	[tilespmem:s13], [sflag:$0x3] =	stream.indirect.gather [hbm4b:s3+s8], $0x40, s18, s8, $0xb8;
	[tilespmem:$0x5800] =	vst v63  }
0x3a: {  	s7 =	simm.s32 $0x48  }
0x3b: {  	[tilespmem:s15], [sflag:$0x4] =	stream.indirect.gather [hbm4b:s3+s8], $0x40, s7, s8, $0xb8;
	[tilespmem:$0x5800] =	vst v63  }
0x3c: {  	s12 =	simm.s32 $0x60  }
0x3d: {  	[tilespmem:s17], [sflag:$0x5] =	stream.indirect.gather [hbm4b:s3+s8], $0x40, s12, s8, $0xb8;
	[tilespmem:$0x5800] =	vst v63  }
0x3e: {  	s14 =	simm.s32 $0x78  }
0x3f: {  	[tilespmem:s19], [sflag:$0x6] =	stream.indirect.gather [hbm4b:s3+s8], $0x40, s14, s8, $0xb8;
	[tilespmem:$0x5800] =	vst v63  }
0x40: {  	s16 =	simm.s32 $0x90  }
0x41: {  	[tilespmem:s21], [sflag:$0x7] =	stream.indirect.gather [hbm4b:s3+s8], $0x40, s16, s8, $0xb8;
	[tilespmem:$0x5800] =	vst v63  }
0x42: {  	s6 =	rddreg [dreg:$0x5];
	s18 =	simm.s32 $0xA8;
	s7 =	simm.s32 $0x0  }
0x43: {  	[tilespmem:s23], [sflag:$0x8] =	stream.indirect.gather [hbm4b:s3+s8], $0x40, s18, s8, $0xb8;
	[tilespmem:$0x5800] =	vst v63  }
.LBB2_2:
0x44: {  	_ =	swait.ge [sflag:s24], $0x500  }
0x45: {  	p0 =	seq.s32 s7, $0xBD00;
	[sflag:s24] =	ssyncset.done $0x0  }
0x46: {  	s12 =	simm.s32 @!p0 $0x9;
	[sflag:s24] =	ssyncadd.s32 $0xFFFFFB00  }
0x47: {  	[hbm4b:s6+s25] =	stream.strided.scatter [tilespmem:s9], [sflag:$0x9], $0x500, s26, s25, $0x38;
	[tilespmem:$0x5800] =	vst v63  }
0x48: {  	_ =	swait.ge @!p0 [sflag:s12], $0x500  }
0x49: {  	[sflag:s12] =	ssyncset.done @!p0 $0x0  }
0x4a: {  	[sflag:s12] =	ssyncadd.s32 @!p0 $0xFFFFFB00;
	s12 =	sshra.s32 @!p0 s7, $0x2  }
0x4b: {  	s14 =	simm.s32 @!p0 $0x14;
	s18 =	simm.s32 @!p0 $0x3000;
	s16 =	sadd.s32 @!p0 $0xC0, s12  }
0x4c: {  	[tilespmem:s18], [sflag:$0x1] =	stream.indirect.gather @!p0 [hbm4b:s3+s14], $0x40, s16, s14, $0xb8;
	[tilespmem:$0x5800] =	vst v63  }
0x4d: {  	_ =	swait.ge [sflag:s28], $0x500  }
0x4e: {  	[sflag:s28] =	ssyncset.done $0x0  }
0x4f: {  	s18 =	sadd.s32 $0x180, s6;
	s16 =	simm.s32 @!p0 $0xA;
	[sflag:s28] =	ssyncadd.s32 $0xFFFFFB00  }
0x50: {  	[hbm4b:s18+s25] =	stream.strided.scatter [tilespmem:s11], [sflag:$0xA], $0x500, s26, s25, $0x38;
	[tilespmem:$0x5800] =	vst v63  }
0x51: {  	_ =	swait.ge @!p0 [sflag:s16], $0x500  }
0x52: {  	[sflag:s16] =	ssyncset.done @!p0 $0x0  }
0x53: {  	s18 =	simm.s32 @!p0 $0x3500;
	[sflag:s16] =	ssyncadd.s32 @!p0 $0xFFFFFB00;
	s16 =	sadd.s32 @!p0 $0xD8, s12  }
0x54: {  	[tilespmem:s18], [sflag:$0x2] =	stream.indirect.gather @!p0 [hbm4b:s3+s14], $0x40, s16, s14, $0xb8;
	[tilespmem:$0x5800] =	vst v63  }
0x55: {  	_ =	swait.ge [sflag:s29], $0x500  }
0x56: {  	[sflag:s29] =	ssyncset.done $0x0  }
0x57: {  	s18 =	sadd.s32 $0x300, s6;
	s16 =	simm.s32 @!p0 $0xB;
	[sflag:s29] =	ssyncadd.s32 $0xFFFFFB00  }
0x58: {  	[hbm4b:s18+s25] =	stream.strided.scatter [tilespmem:s13], [sflag:$0xB], $0x500, s26, s25, $0x38;
	[tilespmem:$0x5800] =	vst v63  }
0x59: {  	_ =	swait.ge @!p0 [sflag:s16], $0x500  }
0x5a: {  	[sflag:s16] =	ssyncset.done @!p0 $0x0  }
0x5b: {  	s18 =	simm.s32 @!p0 $0x3A00;
	[sflag:s16] =	ssyncadd.s32 @!p0 $0xFFFFFB00;
	s16 =	sadd.s32 @!p0 $0xF0, s12  }
0x5c: {  	[tilespmem:s18], [sflag:$0x3] =	stream.indirect.gather @!p0 [hbm4b:s3+s14], $0x40, s16, s14, $0xb8;
	[tilespmem:$0x5800] =	vst v63  }
0x5d: {  	_ =	swait.ge [sflag:s30], $0x500  }
0x5e: {  	[sflag:s30] =	ssyncset.done $0x0  }
0x5f: {  	s18 =	sadd.s32 $0x480, s6;
	s16 =	simm.s32 @!p0 $0xC;
	[sflag:s30] =	ssyncadd.s32 $0xFFFFFB00  }
0x60: {  	[hbm4b:s18+s25] =	stream.strided.scatter [tilespmem:s15], [sflag:$0xC], $0x500, s26, s25, $0x38;
	[tilespmem:$0x5800] =	vst v63  }
0x61: {  	_ =	swait.ge @!p0 [sflag:s16], $0x500  }
0x62: {  	[sflag:s16] =	ssyncset.done @!p0 $0x0  }
0x63: {  	s18 =	simm.s32 @!p0 $0x3F00;
	[sflag:s16] =	ssyncadd.s32 @!p0 $0xFFFFFB00;
	s16 =	sadd.s32 @!p0 $0x108, s12  }
0x64: {  	[tilespmem:s18], [sflag:$0x4] =	stream.indirect.gather @!p0 [hbm4b:s3+s14], $0x40, s16, s14, $0xb8;
	[tilespmem:$0x5800] =	vst v63  }
0x65: {  	_ =	swait.ge [sflag:s31], $0x500  }
0x66: {  	[sflag:s31] =	ssyncset.done $0x0  }
0x67: {  	s18 =	sadd.s32 $0x600, s6;
	s16 =	simm.s32 @!p0 $0xD;
	[sflag:s31] =	ssyncadd.s32 $0xFFFFFB00  }
0x68: {  	[hbm4b:s18+s25] =	stream.strided.scatter [tilespmem:s17], [sflag:$0xD], $0x500, s26, s25, $0x38;
	[tilespmem:$0x5800] =	vst v63  }
0x69: {  	_ =	swait.ge @!p0 [sflag:s16], $0x500  }
0x6a: {  	[sflag:s16] =	ssyncset.done @!p0 $0x0  }
0x6b: {  	s18 =	simm.s32 @!p0 $0x4400;
	[sflag:s16] =	ssyncadd.s32 @!p0 $0xFFFFFB00;
	s16 =	sadd.s32 @!p0 $0x120, s12  }
0x6c: {  	[tilespmem:s18], [sflag:$0x5] =	stream.indirect.gather @!p0 [hbm4b:s3+s14], $0x40, s16, s14, $0xb8;
	[tilespmem:$0x5800] =	vst v63  }
0x6d: {  	_ =	swait.ge [sflag:s0], $0x500  }
0x6e: {  	[sflag:s0] =	ssyncset.done $0x0  }
0x6f: {  	s18 =	sadd.s32 $0x780, s6;
	s16 =	simm.s32 @!p0 $0xE;
	[sflag:s0] =	ssyncadd.s32 $0xFFFFFB00  }
0x70: {  	[hbm4b:s18+s25] =	stream.strided.scatter [tilespmem:s19], [sflag:$0xE], $0x500, s26, s25, $0x38;
	[tilespmem:$0x5800] =	vst v63  }
0x71: {  	_ =	swait.ge @!p0 [sflag:s16], $0x500  }
0x72: {  	[sflag:s16] =	ssyncset.done @!p0 $0x0  }
0x73: {  	s18 =	simm.s32 @!p0 $0x4900;
	[sflag:s16] =	ssyncadd.s32 @!p0 $0xFFFFFB00;
	s16 =	sadd.s32 @!p0 $0x138, s12  }
0x74: {  	[tilespmem:s18], [sflag:$0x6] =	stream.indirect.gather @!p0 [hbm4b:s3+s14], $0x40, s16, s14, $0xb8;
	[tilespmem:$0x5800] =	vst v63  }
0x75: {  	_ =	swait.ge [sflag:s1], $0x500  }
0x76: {  	[sflag:s1] =	ssyncset.done $0x0  }
0x77: {  	s18 =	sadd.s32 $0x900, s6;
	s16 =	simm.s32 @!p0 $0xF;
	[sflag:s1] =	ssyncadd.s32 $0xFFFFFB00  }
0x78: {  	[hbm4b:s18+s25] =	stream.strided.scatter [tilespmem:s21], [sflag:$0xF], $0x500, s26, s25, $0x38;
	[tilespmem:$0x5800] =	vst v63  }
0x79: {  	_ =	swait.ge @!p0 [sflag:s16], $0x500  }
0x7a: {  	[sflag:s16] =	ssyncset.done @!p0 $0x0  }
0x7b: {  	s12 =	sadd.s32 @!p0 $0x150, s12;
	[sflag:s16] =	ssyncadd.s32 @!p0 $0xFFFFFB00;
	s16 =	simm.s32 @!p0 $0x4E00  }
0x7c: {  	[tilespmem:s16], [sflag:$0x7] =	stream.indirect.gather @!p0 [hbm4b:s3+s14], $0x40, s12, s14, $0xb8;
	[tilespmem:$0x5800] =	vst v63  }
.Ltmp2:
0x7d: {  	_ = 	snop;
	(pc) =	sbr.rel @p0 .LBB2_4-.Ltmp2, $4  }
0x7e: {  	_ =	swait.ge [sflag:s10], $0x500  }
0x7f: {  	[sflag:s10] =	ssyncset.done $0x0  }
0x80: {  	s18 =	sadd.s32 $0xA80, s6;
	[sflag:s10] =	ssyncadd.s32 $0xFFFFFB00  }
0x81: {  	[hbm4b:s18+s25] =	stream.strided.scatter [tilespmem:s23], [sflag:$0x10], $0x500, s26, s25, $0x38;
	[tilespmem:$0x5800] =	vst v63  }
.Ltmp3:
0x82: {  	(pc) =	sbr.rel .LBB2_2-.Ltmp3, $4  }
0x83: {  	_ =	swait.ge [sflag:s4], $0x500  }
0x84: {  	s12 =	sshra.s32 s7, $0x2;
	s7 =	sadd.s32 $0x300, s7;
	[sflag:s4] =	ssyncset.done $0x0  }
0x85: {  	s6 =	sadd.s32 $0xC00, s6;
	s12 =	sadd.s32 $0x168, s12;
	[sflag:s4] =	ssyncadd.s32 $0xFFFFFB00  }
0x86: {  	[tilespmem:s23], [sflag:$0x8] =	stream.indirect.gather [hbm4b:s3+s8], $0x40, s12, s8, $0xb8;
	[tilespmem:$0x5800] =	vst v63  }
.LBB2_5:
0x87: {  	_ =	sfence.sel $0x180000  }
0x88: {  	[bflag:$0x0] =	sbarrier.arrive $0xFFFF  }
0x89: {  	_ =	strace $0x9000004A  }
0x8a: {  	s0 =	stileid.u32;
	[bflag:$0x2] =	sbarrier.arrive $0xFFFF  }
0x8b: {  	p0 =	sne.s32 s0, $0x0;
	s0 =	rddreg [dreg:$0x2]  }
0x8c: {  	s0 =	sadd.s32 @!p0 $0x100000, s0  }
0x8d: {  	[sflag:s0] =	ssyncadd.tile.s32 @!p0 $0x1;
	_ =	shalt  }
.Lfunc_end2:
_tile_overlayer_lowered:
.L_overlay_start_2:
0x8e: {  	(tag) =	ssettag $0x2  }
0x8f: {  	s0 =	rddreg [dreg:$0x0];
	s2 =	stileid.u32  }
0x90: {  	s1 =	rddreg [dreg:$0x1];
	p0 =	sne.s32 s2, $0x0  }
0x91: {  	s3 =	rddreg [dreg:$0x2];
	[bflag:$0x3] =	sbarrier.arrive $0xFFFF;
	s2 =	simm.s32 @!p0 $0x1C11  }
0x92: {  	[timem:s3], [sflag:s2] =	dma.local @!p0 [hbm:s0], s1  }
0x93: {  	s0 =	simm.s32 @!p0 $0x11  }
0x94: {  	_ =	swait.ge @!p0 [sflag:s0], s1  }
0x95: {  	s1 =	ssub.s32 @!p0 $0x0, s1;
	[sflag:s0] =	ssyncset.done @!p0 $0x0  }
0x96: {  	[sflag:s0] =	ssyncadd.s32 @!p0 s1  }
0x97: {  	[bflag:$0x3] =	sbarrier.arrive $0xFFFF  }
0x98: {  	_ =	shalt  }

// kernel: sparse-core-data-format-call.1.cloned.1.call-start
scs
called_computation.1_lowered:
.L_overlay_start_0:
0x0: {  	s2 =	sld [smem:$0x3FD9]  }
0x1: {  	s3 =	sld [smem:$0x3FFE];
	_ =	sdelay $0x1  }
0x2: {  	s1 =	srdreg.scid  }
0x3: {  	s0 =	sand.u32 $0x1, s1  }
0x4: {  	s18 =	sshll.u32 s0, $0xA;
	s2 =	sadd.s32 s3, s2  }
0x5: {  	s2 =	sadd.s32 s2, s18  }
0x6: {  	[smem:$0x3FC6] =	sst s2  }
0x7: {  	_ = 	snop  }
0x8: {  	s2 =	sld [smem:$0x3FC8];
	(tm) =	ssettm $0x1  }
0x9: {  	s19 =	sld [smem:$0x3FFB];
	_ =	sdelay $0x3  }
0xa: {  	_ =	strace s19  }
0xb: {  	s3 =	sld [smem:$0x3FFC];
	_ =	sdelay $0x3  }
0xc: {  	_ =	strace s3  }
0xd: {  	s3 =	sld [smem:$0x3FFD];
	_ =	sdelay $0x3  }
0xe: {  	_ =	strace s3  }
0xf: {  	_ =	strace $0x8FFFFFFF  }
0x10: {  	s20 =	sld [smem:$0x3FDB];
	_ =	sdelay $0x1  }
0x11: {  	s4 =	simm.s32 $_scs_section_size  }
0x12: {  	s5 =	simm.s32 $_size__tile_overlayer_lowered;
	s6 =	simm.s32 $_tile_overlayer_lowered  }
0x13: {  	s23 =	simm.s32 $0x1BFF;
	s22 =	sshll.u32 s6, $0x1;
	s3 =	sadd.s32 s4, s20  }
0x14: {  	s7 =	simm.s32 $0x0;
	s21 =	sshll.u32 s5, $0x1;
	s5 =	sadd.s32 s22, s3  }
0x15: {  	[timem:s7], [sflag:s23] =	dma.local [hbm:s5], s21  }
0x16: {  	_ =	swait.ge [sflag:s23], s21  }
0x17: {  	s4 =	ssub.s32 $0x0, s21;
	[sflag:s23] =	ssyncset.done $0x0  }
0x18: {  	[sflag:s23] =	ssyncadd.s32 s4;
	_ =	sdelay $0x1  }
0x19: {  	s24 =	simm.s32 $0x1B8B  }
0x1a: {  	_ =	swait.ge [sflag:s24], $0x1  }
0x1b: {  	[sflag:s24] =	ssyncset.done $0x0  }
0x1c: {  	s26 =	simm.s32 $0x1B8E;
	s25 =	sld [smem:$0x3FFE];
	[sflag:s24] =	ssyncadd.s32 $0xFFFFFFFF  }
0x1d: {  	s27 =	simm.s32 $execute0_lowered;
	[smem:$0x3FD2] =	sst s26  }
0x1e: {  	s5 =	sshll.u32 s27, $0x1;
	_ =	strace $0x80000046;
	[dreg:$0x1] =	wrdreg $0xFFFFFFFF  }
0x1f: {  	s28 =	simm.s32 $_size_execute0_lowered;
	s3 =	sadd.s32 s3, s5;
	[dreg:$0x0] =	wrdreg $0x0  }
0x20: {  	s5 =	sshll.u32 s28, $0x1;
	[dreg:$0x2] =	wrdreg s3  }
0x21: {  	[dreg:$0x3] =	wrdreg s5  }
0x22: {  	[dreg:$0x4] =	wrdreg $0xC0  }
0x23: {  	_ =	task [dreg:s7], $0x5FFFF  }
0x24: {  	[dreg:$0x1] =	wrdreg $0xFFFFFFFF  }
0x25: {  	[dreg:$0x0] =	wrdreg $0x60  }
0x26: {  	[dreg:$0x2] =	wrdreg s2  }
0x27: {  	[dreg:$0x3] =	wrdreg s25  }
0x28: {  	[dreg:$0x4] =	wrdreg $0x9  }
0x29: {  	_ =	task.clear_ibuf [dreg:s7], $0x5FFFF;
	_ =	strace $0x90000046  }
0x2a: {  	s29 =	simm.s32 $0x9;
	_ =	strace $0x80000048  }
0x2b: {  	_ =	swait.ge [sflag:s29], $0x1  }
0x2c: {  	[sflag:s29] =	ssyncadd.s32 $0xFFFFFFFF  }
0x2d: {  	_ =	strace $0x90000048  }
0x2e: {  	_ =	sfence  }
0x2f: {  	s30 =	sld [smem:$0x0];
	_ =	sdelay $0x2  }
0x30: {  	s31 =	sshll.u32 s1, $0xD;
	s1 =	sshrl.u32 s1, $0x2  }
0x31: {  	s3 =	sand.u32 $0x4000, s31;
	s1 =	sadd.s32 s1, s30  }
0x32: {  	s0 =	sor.u32 s3, s0;
	s1 =	sshll.u32 s1, $0x11  }
0x33: {  	s0 =	sor.u32 s1, s0  }
0x34: {  	s0 =	sadd.s32 $0x8F2B, s0  }
0x35: {  	[sflag:s0] =	ssyncadd.remote.s32 $0x1  }
0x36: {  	_ =	sfence.sel $0xFFFF  }
0x37: {  	[dreg:$0x0] =	wrdreg $0xFFFFFFFF;
	(pc) =	sbr.abs _section_cstart, $3  }
0x38: {  	[dreg:$0x1] =	wrdreg $0xFFFFFFFF  }
0x39: {  	_ =	task.clear_ibuf [dreg:s7], $0x2FFFF;
	_ =	strace $0x9FFFFFFF  }
0x3a: {  	(tm) =	ssettm $0x7FFFFFFF  }
0x3b: {  	_ =	shalt  }
tec
execute0_lowered:
.L_overlay_start_1:
0x0: {  	(tag) =	ssettag $0x1  }
0x1: {  	s0 =	srdreg.scid;
	s2 =	rddreg [dreg:$0x0]  }
0x2: {  	s5 =	rddreg [dreg:$0x1];
	s1 =	stileid.u32  }
0x3: {  	s4 =	simm.s32 $0x1;
	s6 =	simm.s32 $0x2;
	s15 =	simm.s32 $0x0  }
0x4: {  	p0 =	por $0x0, $0x0;
	s8 =	simm.s32 $0x80;
	s0 =	sshll.u32 s0, $0x4  }
0x5: {  	s14 =	simm.s32 $0x0;
	s9 =	simm.s32 $0x0;
	s3 =	sand.u32 $0x10, s0  }
.Ltmp0:
0x6: {  	s10 =	simm.s32 $0x0;
	s3 =	sor.u32 s1, s3;
	(pc) =	sbr.rel .LBB1_1-.Ltmp0, $4  }
0x7: {  	s0 =	rddreg [dreg:$0x2];
	_ =	strace $0x80000047;
	s3 =	sshll.u32 s3, $0x7  }
0x8: {  	s12 =	simm.s32 $0x0;
	[sflag:s4] =	ssyncpa.u1 $0x0;
	s7 =	ssub.s32 $0xF4200, s3  }
0x9: {  	s13 =	simm.s32 $0x0;
	[sflag:s6] =	ssyncpa.u1 $0x0;
	s6 =	sshrl.u32 s7, $0xC  }
0xa: {  	s5 =	sadd.s32 $0xE00, s5;
	s11 =	smov.u32 s3;
	s7 =	sadd.s32 $0x2, s6  }
.LBB1_5:
0xb: {  	p1 =	slt.u32 s13, $0x2  }
0xc: {  	s17 =	smov.u32 s15;
	p2 =	sgt.s32 @!p1 s15, $0xF41C0;
	s16 =	sshra.s32 @!p1 s15, $0x1F  }
0xd: {  	p3 =	sgt.s32 @!p1 s14, $0x40;
	s18 =	sshra.s32 @!p1 s14, $0x1F;
	p2 =	por !p2, p1  }
0xe: {  	s15 =	sand.u32 @!p1 s16, s15;
	p3 =	por !p3, p1;
	s16 =	smov.u32 s14  }
0xf: {  	s14 =	sand.u32 @!p1 s18, s14;
	s17 =	simm.s32 @p2 $0xF41C0;
	s16 =	simm.s32 @p3 $0x40  }
0x10: {  	s15 =	ssub.s32 @!p1 s17, s15;
	s14 =	ssub.s32 @!p1 s16, s14  }
0x11: {  	s18 =	smov.u32 s12;
	s16 =	sadd.s32 @!p1 $0xFFF0BE40, s15;
	s17 =	sadd.s32 @!p1 $0xFFFFFFC0, s14  }
0x12: {  	s15 =	ssub.s32 @!p1 $0xF4240, s15;
	p2 =	sgt.s32 @!p1 s16, $0x7F;
	p3 =	sgt.s32 @!p1 s17, $0x3F  }
0x13: {  	s14 =	ssub.s32 @!p1 $0x80, s14;
	p2 =	por !p2, p1;
	p3 =	por !p3, p1  }
0x14: {  	s16 =	sadd.s32 $0x1000, s11;
	s15 =	simm.s32 @!p2 $0x0;
	s14 =	simm.s32 @!p3 $0x0  }
0x15: {  	p2 =	sgt.s32 s16, $0xF423F;
	s14 =	smul.u32 @!p1 s14, s15;
	s15 =	sadd.s32 $0x40, s12  }
0x16: {  	s18 =	smov.u32 @p2 s15  }
0x17: {  	s16 =	smov.u32 @p2 s3;
	p2 =	sgt.s32 s18, $0x3F  }
0x18: {  	s18 =	simm.s32 @p2 $0x0;
	p2 =	sne.s32 s13, s7  }
.Ltmp1:
0x19: {  	p0 =	por !p0, !p0;
	s17 =	simm.s32 @!p1 $0x2;
	(pc) =	sbr.rel @!p2 .LBB1_6-.Ltmp1, $4  }
0x1a: {  	s15 =	smov.u32 s9;
	s9 =	smov.u32 s11;
	s14 =	sand.u32 @!p1 $0x3FFFFFFF, s14  }
0x1b: {  	s11 =	smov.u32 s16;
	_ =	swait.ge @!p1 [sflag:s17], s14;
	s19 =	ssub.s32 @!p1 $0x0, s14  }
0x1c: {  	s14 =	smov.u32 s10;
	s13 =	sadd.s32 $0x1, s13;
	[sflag:s17] =	ssyncset.done @!p1 $0x0  }
0x1d: {  	s10 =	smov.u32 s12;
	s12 =	smov.u32 s18;
	[sflag:s17] =	ssyncadd.s32 @!p1 s19  }
.LBB1_1:
0x1e: {  	p1 =	sgt.u32 s13, s6  }
0x1f: {  	s16 =	sshrl.u32 @!p1 s12, $0x3  }
0x20: {  	s17 =	sshll.u32 @!p1 s11, $0x3;
	s16 =	smul.u32 @!p1 $0x7A1400, s16  }
0x21: {  	s18 =	sshll.u32 @!p1 s12, $0x7;
	s17 =	sand.u32 @!p1 $0xFFFFFC00, s17  }
0x22: {  	s16 =	sadd.s32 @!p1 s16, s17;
	s17 =	sand.u32 @!p1 $0x380, s18  }
0x23: {  	s18 =	sand.u32 @!p1 $0x7F, s11;
	s16 =	sor.u32 @!p1 s17, s16  }
0x24: {  	s17 =	sor.u32 @!p1 s18, s16  }
0x25: {  	s18 =	smulhi.u32 @!p1 $0x218D6287, s17;
	_ =	sdelay $0x1  }
0x26: {  	s16 =	smulhi.u32 @!p1 $0x218D6287, s16;
	s18 =	sshrl.u32 @!p1 s18, $0x11  }
0x27: {  	s18 =	smul.u32 @!p1 $0xF4280, s18  }
0x28: {  	s19 =	sxor.u32 @!p1 $0xFFFFFFFF, s13;
	s16 =	sshrl.u32 @!p1 s16, $0x11  }
0x29: {  	s19 =	sshll.u32 @!p1 s19, $0xD;
	s16 =	sand.u32 @!p1 $0x3F, s16;
	s17 =	ssub.s32 @!p1 s17, s18  }
0x2a: {  	s16 =	smul.u32 @!p1 $0x1E850, s16;
	s18 =	sshrl.u32 @!p1 s17, $0x3;
	s17 =	sand.u32 @!p1 $0x7, s17  }
0x2b: {  	s19 =	sand.u32 @!p1 $0x2000, s19;
	s18 =	sadd.s32 @!p1 s2, s18;
	s17 =	sshll.u32 @!p1 s17, $0x12  }
0x2c: {  	s16 =	sadd.s32 @!p1 s16, s18;
	s17 =	sor.u32 @!p1 $0x400, s17;
	s18 =	simm.s32 @!p1 $0x7A1400  }
0x2d: {  	[tilespmem:s19], [sflag:$0x1] =	stream.strided.gather @!p1 [hbm4b:s16+s17], $0x2000, s18, s17, $0x38;
	[tilespmem:$0x8100] =	vst v63  }
0x2e: {  	p1 =	seq.s32 s13, $0x0  }
0x2f: {  	p2 =	sge.u32 @!p1 s13, s7  }
0x30: {  	p1 =	por p1, p2  }
.Ltmp2:
0x31: {  	_ = 	snop;
	(pc) =	sbr.rel @p1 .LBB1_5-.Ltmp2, $1  }
0x32: {  	_ =	sdelay $0x3  }
0x33: {  	s16 =	simm.s32 $0x1  }
0x34: {  	_ =	swait.ge [sflag:s4], $0x2000;
	s16 =	simm.s32 @!p0 $0x0  }
0x35: {  	[sflag:s4] =	ssyncset.done $0x0;
	s17 =	sshll.u32 s16, $0xD  }
0x36: {  	[sflag:s4] =	ssyncadd.s32 $0xFFFFE000;
	s17 =	sor.u32 $0x40, s17  }
0x37: {  	s16 =	smul.u32 $0x8200, s16;
	v0 =	vld [tilespmem:s17+$0x30]  }
0x38: {  	v1 =	vld [tilespmem:s17+$0xFFFFFFD0]  }
0x39: {  	s16 =	sshrl.u32 s16, $0x2;
	v5 =	vld [tilespmem:s17+$0xFFFFFFE0]  }
0x3a: {  	v6 =	vld [tilespmem:s17+$0xFFFFFFF0];
	s19 =	sor.u32 $0x4000, s16  }
0x3b: {  	s31 =	sand.u32 $0x1, s13;
	v4 =	vld [tilespmem:s17+$0x0];
	s18 =	sadd.s32 $0x0, s19  }
0x3c: {  	v3 =	vld [tilespmem:s17+$0x10];
	s16 =	smul.u32 $0x8200, s31;
	[tilespmem:s18+$0x1C70 ss:$0x41] =	vst.msk $0xffff, v0  }
0x3d: {  	v2 =	vld [tilespmem:s17+$0x20];
	[tilespmem:s18+$0x410 ss:$0x41] =	vst.msk $0xffff, v1  }
0x3e: {  	s16 =	sshrl.u32 s16, $0x2;
	v1 =	vld [tilespmem:s17+$0xFFFFFFC0];
	[tilespmem:s18+$0x820 ss:$0x41] =	vst.msk $0xffff, v5;
	s17 =	sadd.s32 $0x80, s17  }
0x3f: {  	s20 =	simm.s32 $0x4;
	s21 =	simm.s32 $0x8;
	s16 =	sor.u32 $0x4000, s16;
	[tilespmem:s18+$0xC30 ss:$0x41] =	vst.msk $0xffff, v6;
	v0 =	vld [tilespmem:s17+$0x30]  }
.LBB1_3:
0x40: {  	p1 =	sne.s32 s21, $0xFC;
	v5 =	vld [tilespmem:s17+$0xFFFFFFD0];
	[tilespmem:s18+$0x1040 ss:$0x41] =	vst.msk $0xffff, v4  }
0x41: {  	v6 =	vld [tilespmem:s17+$0xFFFFFFE0];
	[tilespmem:s18+$0x1450 ss:$0x41] =	vst.msk $0xffff, v3  }
0x42: {  	s22 =	sshra.s32 s20, $0x2;
	s20 =	smov.u32 s21;
	v7 =	vld [tilespmem:s17+$0xFFFFFFF0];
	[tilespmem:s18+$0x1860 ss:$0x41] =	vst.msk $0xffff, v2  }
.Ltmp3:
0x43: {  	v4 =	vld [tilespmem:s17+$0x0];
	[tilespmem:s18+$0x0 ss:$0x41] =	vst.msk $0xffff, v1;
	s18 =	sadd.s32 s22, s19;
	(pc) =	sbr.rel @p1 .LBB1_3-.Ltmp3, $4  }
0x44: {  	v3 =	vld [tilespmem:s17+$0x10];
	[tilespmem:s18+$0x1C70 ss:$0x41] =	vst.msk $0xffff, v0  }
0x45: {  	[tilespmem:s18+$0x410 ss:$0x41] =	vst.msk $0xffff, v5;
	v2 =	vld [tilespmem:s17+$0x20]  }
0x46: {  	v1 =	vld [tilespmem:s17+$0xFFFFFFC0];
	[tilespmem:s18+$0x820 ss:$0x41] =	vst.msk $0xffff, v6;
	s17 =	sadd.s32 $0x80, s17  }
0x47: {  	s21 =	sadd.s32 $0x4, s21;
	v0 =	vld [tilespmem:s17+$0x30];
	[tilespmem:s18+$0xC30 ss:$0x41] =	vst.msk $0xffff, v7  }
0x48: {  	s21 =	sshll.u32 s9, $0x7;
	s22 =	sshll.u32 s10, $0x3;
	s20 =	sshra.s32 s20, $0x2  }
0x49: {  	p1 =	sgt.s32 s9, $0xF41C0;
	s30 =	sshra.s32 s9, $0x1F;
	s25 =	sshra.s32 s10, $0x1F  }
0x4a: {  	v5 =	vld [tilespmem:s17+$0xFFFFFFD0];
	s28 =	sshrl.u32 s10, $0x3;
	s23 =	sand.u32 $0xFFFFFC00, s21;
	s22 =	sand.u32 $0xFFFFFC00, s22  }
0x4b: {  	[tilespmem:s18+$0x1040 ss:$0x41] =	vst.msk $0xffff, v4;
	v58 =	vld [tilespmem:s17+$0xFFFFFFE0];
	s21 =	sand.u32 $0x380, s21;
	s19 =	sadd.s32 s20, s19;
	s22 =	sadd.s32 s22, s23  }
0x4c: {  	v59 =	vld [tilespmem:s17+$0xFFFFFFF0];
	[tilespmem:s18+$0x1450 ss:$0x41] =	vst.msk $0xffff, v3;
	s29 =	sor.u32 s21, s22;
	s21 =	smov.u32 s9;
	s22 =	sand.u32 s30, s9  }
0x4d: {  	v60 =	vld [tilespmem:s17+$0x0];
	[tilespmem:s18+$0x1860 ss:$0x41] =	vst.msk $0xffff, v2;
	s30 =	sand.u32 $0x7, s10;
	s20 =	sshrl.u32 s29, $0x7;
	s21 =	simm.s32 @!p1 $0xF41C0  }
0x4e: {  	v61 =	vld [tilespmem:s17+$0x10];
	[tilespmem:s18+$0x0 ss:$0x41] =	vst.msk $0xffff, v1;
	p1 =	sgt.s32 s10, $0x40;
	s24 =	ssub.s32 s21, s22;
	s21 =	smov.u32 s10  }
0x4f: {  	v62 =	vld [tilespmem:s17+$0x20];
	[tilespmem:s19+$0x1C70 ss:$0x41] =	vst.msk $0xffff, v0;
	s31 =	smulhi.u32 $0x218DEF5, s20;
	s22 =	sand.u32 s25, s10;
	s21 =	simm.s32 @!p1 $0x40  }
0x50: {  	v63 =	vld [tilespmem:s17+$0xFFFFFFC0];
	[tilespmem:s19+$0x410 ss:$0x41] =	vst.msk $0xffff, v5;
	s26 =	sadd.s32 $0xFFF0BE40, s24;
	s17 =	ssub.s32 $0xF4240, s24;
	s21 =	ssub.s32 s21, s22  }
0x51: {  	[tilespmem:s19+$0x820 ss:$0x41] =	vst.msk $0xffff, v58;
	s23 =	sshrl.u32 s31, $0xD;
	p1 =	sgt.s32 s26, $0x7F;
	s27 =	sadd.s32 $0xFFFFFFC0, s21  }
0x52: {  	[tilespmem:s19+$0xC30 ss:$0x41] =	vst.msk $0xffff, v59;
	s23 =	smul.u32 $0xF4240, s23;
	s18 =	ssub.s32 $0x80, s21;
	p2 =	sgt.s32 s27, $0x3F  }
.Ltmp4:
0x53: {  	[tilespmem:s19+$0x1040 ss:$0x41] =	vst.msk $0xffff, v60;
	s17 =	simm.s32 @p1 $0x0;
	s18 =	simm.s32 @p2 $0x0;
	(pc) =	sbr.rel .LBB1_5-.Ltmp4, $4  }
0x54: {  	s29 =	sand.u32 $0xF, s28;
	[tilespmem:s19+$0x1450 ss:$0x41] =	vst.msk $0xffff, v61;
	s20 =	ssub.s32 s20, s23;
	s17 =	smul.u32 s18, s17  }
0x55: {  	[tilespmem:s19+$0x1860 ss:$0x41] =	vst.msk $0xffff, v62;
	s21 =	sshll.u32 s30, $0x12;
	s20 =	sshll.u32 s20, $0x4;
	s18 =	sadd.s32 s5, s29  }
0x56: {  	[tilespmem:s19+$0x0 ss:$0x41] =	vst.msk $0xffff, v63;
	s31 =	sor.u32 $0x40, s21;
	s18 =	sadd.s32 s20, s18;
	s17 =	sand.u32 $0x3FFFFFFF, s17  }
0x57: {  	[hbm4b:s18+s31] =	stream.strided.scatter [tilespmem:s16], [sflag:$0x2], s17, s8, s31, $0x18;
	[tilespmem:$0x8100] =	vst v63  }
.LBB1_6:
0x58: {  	_ =	sfence.sel $0x180000  }
0x59: {  	s2 =	simm.s32 $0x1;
	[bflag:$0x0] =	sbarrier.arrive $0xFFFF  }
0x5a: {  	s31 =	simm.s32 $0x2;
	[sflag:s2] =	ssyncpa.u1 $0x1  }
0x5b: {  	[sflag:s31] =	ssyncpa.u1 $0x1  }
0x5c: {  	p0 =	sne.s32 s1, $0x0;
	_ =	strace $0x90000047  }
0x5d: {  	s0 =	sadd.s32 @!p0 $0x100000, s0;
	[bflag:$0x2] =	sbarrier.arrive $0xFFFF  }
0x5e: {  	[sflag:s0] =	ssyncadd.tile.s32 @!p0 $0x1;
	_ =	shalt  }
.Lfunc_end1:
_tile_overlayer_lowered:
.L_overlay_start_2:
0x5f: {  	(tag) =	ssettag $0x2  }
0x60: {  	s0 =	rddreg [dreg:$0x0];
	s2 =	stileid.u32  }
0x61: {  	s1 =	rddreg [dreg:$0x1];
	p0 =	sne.s32 s2, $0x0  }
0x62: {  	s3 =	rddreg [dreg:$0x2];
	[bflag:$0x3] =	sbarrier.arrive $0xFFFF;
	s2 =	simm.s32 @!p0 $0x1C01  }
0x63: {  	[timem:s3], [sflag:s2] =	dma.local @!p0 [hbm:s0], s1  }
0x64: {  	s0 =	simm.s32 @!p0 $0x1  }
0x65: {  	_ =	swait.ge @!p0 [sflag:s0], s1  }
0x66: {  	s1 =	ssub.s32 @!p0 $0x0, s1;
	[sflag:s0] =	ssyncset.done @!p0 $0x0  }
0x67: {  	[sflag:s0] =	ssyncadd.s32 @!p0 s1  }
0x68: {  	[bflag:$0x3] =	sbarrier.arrive $0xFFFF  }
0x69: {  	_ =	shalt  }

// kernel: sparse-core-data-format-call.cloned.1.call-start
scs
called_computation_lowered:
.L_overlay_start_0:
0x0: {  	s2 =	sld [smem:$0x3FD9]  }
0x1: {  	s3 =	sld [smem:$0x3FFE];
	_ =	sdelay $0x1  }
0x2: {  	s1 =	srdreg.scid  }
0x3: {  	s0 =	sand.u32 $0x1, s1  }
0x4: {  	s18 =	sshll.u32 s0, $0xA;
	s2 =	sadd.s32 s3, s2  }
0x5: {  	s2 =	sadd.s32 s2, s18  }
0x6: {  	[smem:$0x3FC6] =	sst s2  }
0x7: {  	_ = 	snop  }
0x8: {  	s2 =	sld [smem:$0x3FD0];
	(tm) =	ssettm $0x1  }
0x9: {  	s19 =	sld [smem:$0x3FFB];
	_ =	sdelay $0x3  }
0xa: {  	_ =	strace s19  }
0xb: {  	s3 =	sld [smem:$0x3FFC];
	_ =	sdelay $0x3  }
0xc: {  	_ =	strace s3  }
0xd: {  	s3 =	sld [smem:$0x3FFD];
	_ =	sdelay $0x3  }
0xe: {  	_ =	strace s3  }
0xf: {  	_ =	strace $0x8FFFFFFF  }
0x10: {  	s20 =	sld [smem:$0x3FDB];
	_ =	sdelay $0x1  }
0x11: {  	s4 =	simm.s32 $_scs_section_size  }
0x12: {  	s5 =	simm.s32 $_size__tile_overlayer_lowered;
	s6 =	simm.s32 $_tile_overlayer_lowered  }
0x13: {  	s23 =	simm.s32 $0x1BFF;
	s22 =	sshll.u32 s6, $0x1;
	s3 =	sadd.s32 s4, s20  }
0x14: {  	s7 =	simm.s32 $0x0;
	s21 =	sshll.u32 s5, $0x1;
	s5 =	sadd.s32 s22, s3  }
0x15: {  	[timem:s7], [sflag:s23] =	dma.local [hbm:s5], s21  }
0x16: {  	_ =	swait.ge [sflag:s23], s21  }
0x17: {  	s4 =	ssub.s32 $0x0, s21;
	[sflag:s23] =	ssyncset.done $0x0  }
0x18: {  	[sflag:s23] =	ssyncadd.s32 s4;
	_ =	sdelay $0x1  }
0x19: {  	s24 =	simm.s32 $0x1B8B  }
0x1a: {  	_ =	swait.ge [sflag:s24], $0x1  }
0x1b: {  	[sflag:s24] =	ssyncset.done $0x0  }
0x1c: {  	s26 =	simm.s32 $0x1B8E;
	s25 =	sld [smem:$0x3FFE];
	[sflag:s24] =	ssyncadd.s32 $0xFFFFFFFF  }
0x1d: {  	s27 =	simm.s32 $execute0_lowered;
	[smem:$0x3FD2] =	sst s26  }
0x1e: {  	s5 =	sshll.u32 s27, $0x1;
	_ =	strace $0x8000004C;
	[dreg:$0x1] =	wrdreg $0xFFFFFFFF  }
0x1f: {  	s28 =	simm.s32 $_size_execute0_lowered;
	s3 =	sadd.s32 s3, s5;
	[dreg:$0x0] =	wrdreg $0x0  }
0x20: {  	s5 =	sshll.u32 s28, $0x1;
	[dreg:$0x2] =	wrdreg s3  }
0x21: {  	[dreg:$0x3] =	wrdreg s5  }
0x22: {  	[dreg:$0x4] =	wrdreg $0xC0  }
0x23: {  	_ =	task [dreg:s7], $0x5FFFF  }
0x24: {  	[dreg:$0x1] =	wrdreg $0xFFFFFFFF  }
0x25: {  	[dreg:$0x0] =	wrdreg $0x60  }
0x26: {  	[dreg:$0x2] =	wrdreg s25  }
0x27: {  	[dreg:$0x3] =	wrdreg s2  }
0x28: {  	[dreg:$0x4] =	wrdreg $0x9  }
0x29: {  	_ =	task.clear_ibuf [dreg:s7], $0x5FFFF;
	_ =	strace $0x9000004C  }
0x2a: {  	s29 =	simm.s32 $0x9;
	_ =	strace $0x8000004E  }
0x2b: {  	_ =	swait.ge [sflag:s29], $0x1  }
0x2c: {  	[sflag:s29] =	ssyncadd.s32 $0xFFFFFFFF  }
0x2d: {  	_ =	strace $0x9000004E  }
0x2e: {  	_ =	sfence  }
0x2f: {  	s30 =	sld [smem:$0x0];
	_ =	sdelay $0x2  }
0x30: {  	s31 =	sshll.u32 s1, $0xD;
	s1 =	sshrl.u32 s1, $0x2  }
0x31: {  	s3 =	sand.u32 $0x4000, s31;
	s1 =	sadd.s32 s1, s30  }
0x32: {  	s0 =	sor.u32 s3, s0;
	s1 =	sshll.u32 s1, $0x11  }
0x33: {  	s0 =	sor.u32 s1, s0  }
0x34: {  	s0 =	sadd.s32 $0x8F2B, s0  }
0x35: {  	[sflag:s0] =	ssyncadd.remote.s32 $0x1  }
0x36: {  	_ =	sfence.sel $0xFFFF  }
0x37: {  	[dreg:$0x0] =	wrdreg $0xFFFFFFFF;
	(pc) =	sbr.abs _section_cstart, $3  }
0x38: {  	[dreg:$0x1] =	wrdreg $0xFFFFFFFF  }
0x39: {  	_ =	task.clear_ibuf [dreg:s7], $0x2FFFF;
	_ =	strace $0x9FFFFFFF  }
0x3a: {  	(tm) =	ssettm $0x7FFFFFFF  }
0x3b: {  	_ =	shalt  }
tec
execute0_lowered:
.L_overlay_start_1:
0x0: {  	(tag) =	ssettag $0x1  }
0x1: {  	s0 =	srdreg.scid  }
0x2: {  	s1 =	sshll.u32 s0, $0x4  }
0x3: {  	s0 =	stileid.u32;
	s1 =	sand.u32 $0x10, s1  }
0x4: {  	s1 =	sor.u32 s0, s1  }
0x5: {  	s6 =	rddreg [dreg:$0x0];
	s4 =	simm.s32 $0x1;
	s2 =	sshll.u32 s1, $0x7  }
0x6: {  	s7 =	simm.s32 $0x2;
	s12 =	simm.s32 $0x0;
	s1 =	ssub.s32 $0x4000, s2  }
0x7: {  	s8 =	simm.s32 $0x20000;
	s13 =	simm.s32 $0x0;
	s3 =	sand.u32 $0xF80, s1  }
0x8: {  	s9 =	simm.s32 $0x0;
	s5 =	sshrl.u32 s1, $0xC;
	p0 =	sne.s32 s3, $0x0  }
.Ltmp0:
0x9: {  	s1 =	rddreg [dreg:$0x2];
	s4 =	simm.s32 @!p0 $0x0;
	(pc) =	sbr.rel .LBB1_1-.Ltmp0, $4  }
0xa: {  	s11 =	simm.s32 $0x0;
	s3 =	rddreg [dreg:$0x1];
	s5 =	sadd.s32 s4, s5  }
0xb: {  	_ =	strace $0x8000004D;
	s4 =	simm.s32 $0x1;
	s5 =	smul.u32 $0x14, s5  }
0xc: {  	s6 =	sadd.s32 $0xE00, s6;
	s10 =	smov.u32 s2;
	[sflag:s4] =	ssyncpa.u1 $0x0  }
0xd: {  	p0 =	por $0x0, $0x0;
	[sflag:s7] =	ssyncpa.u1 $0x0;
	s7 =	sor.u32 $0x1, s5  }
.LBB1_4:
0xe: {  	s16 =	sshll.u32 s13, $0x3;
	s17 =	sand.u32 $0x78, s13  }
0xf: {  	s30 =	sand.u32 $0x1F800, s13;
	s12 =	sshll.u32 s12, $0x11;
	s16 =	sand.u32 $0x3C00, s16  }
0x10: {  	[tilespmem:s15+$0x810 ss:$0x81] =	vst.msk $0xffff, v2;
	s31 =	sand.u32 $0x7, s13;
	s16 =	sor.u32 s17, s16;
	s17 =	sadd.s32 s3, s30  }
0x11: {  	[tilespmem:s15+$0x1020 ss:$0x81] =	vst.msk $0xffff, v0;
	s13 =	sshll.u32 s31, $0x12;
	s12 =	sadd.s32 s12, s17;
	s16 =	sshrl.u32 s16, $0x3  }
0x12: {  	[tilespmem:s15+$0x0 ss:$0x81] =	vst.msk $0xffff, v1;
	s13 =	sor.u32 $0x400, s13;
	s12 =	sadd.s32 s16, s12  }
0x13: {  	[hbm4b:s12+s13] =	stream.strided.scatter [tilespmem:s14], [sflag:$0x2], $0x2000, s8, s13, $0x20;
	[tilespmem:$0x8080] =	vst v63  }
.LBB1_5:
0x14: {  	s14 =	sadd.s32 $0x1, s9  }
0x15: {  	s12 =	sadd.s32 $0x1000, s10;
	s16 =	smov.u32 s10;
	p2 =	sgt.s32 s14, $0x13  }
0x16: {  	s16 =	smov.u32 @p2 s12  }
0x17: {  	s14 =	simm.s32 @p2 $0x0;
	p2 =	sgt.s32 s16, $0x3FFF  }
0x18: {  	s16 =	smov.u32 @p2 s2;
	p2 =	sne.s32 s11, s7  }
.Ltmp1:
0x19: {  	p1 =	slt.u32 s11, $0x2;
	(pc) =	sbr.rel @!p2 .LBB1_6-.Ltmp1, $4  }
0x1a: {  	s15 =	simm.s32 @!p1 $0x2  }
0x1b: {  	s13 =	smov.u32 s10;
	p0 =	por !p0, !p0;
	_ =	swait.ge @!p1 [sflag:s15], $0x2000  }
0x1c: {  	s12 =	smov.u32 s9;
	[sflag:s15] =	ssyncset.done @!p1 $0x0;
	s9 =	smov.u32 s14  }
0x1d: {  	s11 =	sadd.s32 $0x1, s11;
	[sflag:s15] =	ssyncadd.s32 @!p1 $0xFFFFE000;
	s10 =	smov.u32 s16  }
.LBB1_1:
0x1e: {  	p1 =	sge.u32 s11, s5  }
0x1f: {  	s14 =	sand.u32 @!p1 $0x1FFFFFF, s9  }
0x20: {  	s15 =	smulhi.u32 @!p1 $0xAAAAAAB, s14;
	_ =	sdelay $0x1  }
0x21: {  	s15 =	smul.u32 @!p1 $0x18, s15  }
0x22: {  	s16 =	sxor.u32 @!p1 $0xFFFFFFFF, s11;
	s17 =	smul.u32 @!p1 $0x180, s10  }
0x23: {  	s31 =	sadd.s32 $0xFFFFFFFF, s11;
	s16 =	sshll.u32 @!p1 s16, $0xD;
	s14 =	ssub.s32 @!p1 s14, s15  }
0x24: {  	s15 =	sand.u32 @!p1 $0x2000, s16;
	s16 =	sadd.s32 @!p1 s6, s17;
	s14 =	sshll.u32 @!p1 s14, $0x4  }
0x25: {  	s17 =	simm.s32 @!p1 $0xC00;
	s14 =	sadd.s32 @!p1 s14, s16;
	s16 =	simm.s32 @!p1 $0x40  }
0x26: {  	[tilespmem:s15], [sflag:$0x1] =	stream.strided.gather @!p1 [hbm4b:s14+s16], $0x2000, s17, s16, $0x38;
	[tilespmem:$0x8080] =	vst v63  }
0x27: {  	p1 =	sge.u32 s31, s5  }
.Ltmp2:
0x28: {  	_ = 	snop;
	(pc) =	sbr.rel @p1 .LBB1_5-.Ltmp2, $1  }
0x29: {  	_ =	sdelay $0x3  }
0x2a: {  	s14 =	simm.s32 $0x1  }
0x2b: {  	_ =	swait.ge [sflag:s4], $0x2000;
	s14 =	simm.s32 @!p0 $0x0  }
0x2c: {  	[sflag:s4] =	ssyncset.done $0x0;
	s15 =	sshll.u32 s14, $0xD  }
0x2d: {  	[sflag:s4] =	ssyncadd.s32 $0xFFFFE000;
	s18 =	sor.u32 $0x20, s15  }
0x2e: {  	s14 =	smul.u32 $0x8100, s14;
	v3 =	vld [tilespmem:s18+$0x10]  }
0x2f: {  	s30 =	sand.u32 $0x1, s11;
	v2 =	vld [tilespmem:s18+$0xFFFFFFF0]  }
0x30: {  	s15 =	smul.u32 $0x8100, s30;
	s14 =	sshrl.u32 s14, $0x2;
	v0 =	vld [tilespmem:s18+$0x0]  }
0x31: {  	v1 =	vld [tilespmem:s18+$0xFFFFFFE0];
	s16 =	sor.u32 $0x4000, s14  }
0x32: {  	s31 =	sshrl.u32 s15, $0x2;
	s15 =	sadd.s32 $0x0, s16  }
0x33: {  	s17 =	simm.s32 $0x4;
	s18 =	sadd.s32 $0x40, s18;
	s14 =	sor.u32 $0x4000, s31;
	[tilespmem:s15+$0x1830 ss:$0x81] =	vst.msk $0xffff, v3  }
.LBB1_3:
0x34: {  	v3 =	vld [tilespmem:s18+$0x10];
	p1 =	sne.s32 s17, $0x1FC;
	[tilespmem:s15+$0x810 ss:$0x81] =	vst.msk $0xffff, v2;
	s19 =	smov.u32 s17;
	s17 =	sadd.s32 $0x4, s17  }
.Ltmp3:
0x35: {  	v2 =	vld [tilespmem:s18+$0xFFFFFFF0];
	[tilespmem:s15+$0x1020 ss:$0x81] =	vst.msk $0xffff, v0;
	(pc) =	sbr.rel @p1 .LBB1_3-.Ltmp3, $4  }
0x36: {  	v0 =	vld [tilespmem:s18+$0x0];
	[tilespmem:s15+$0x0 ss:$0x81] =	vst.msk $0xffff, v1  }
0x37: {  	s15 =	sshra.s32 s19, $0x2;
	v1 =	vld [tilespmem:s18+$0xFFFFFFE0]  }
0x38: {  	s15 =	sadd.s32 s15, s16  }
0x39: {  	s18 =	sadd.s32 $0x40, s18;
	[tilespmem:s15+$0x1830 ss:$0x81] =	vst.msk $0xffff, v3  }
.Ltmp4:
0x3a: {  	_ = 	snop;
	(pc) =	sbr.rel .LBB1_4-.Ltmp4, $1  }
0x3b: {  	_ =	sdelay $0x3  }
.LBB1_6:
0x3c: {  	_ =	sfence.sel $0x180000  }
0x3d: {  	s2 =	simm.s32 $0x1;
	[bflag:$0x0] =	sbarrier.arrive $0xFFFF  }
0x3e: {  	s31 =	simm.s32 $0x2;
	[sflag:s2] =	ssyncpa.u1 $0x1  }
0x3f: {  	[sflag:s31] =	ssyncpa.u1 $0x1  }
0x40: {  	p0 =	sne.s32 s0, $0x0;
	_ =	strace $0x9000004D  }
0x41: {  	s0 =	sadd.s32 @!p0 $0x100000, s1;
	[bflag:$0x2] =	sbarrier.arrive $0xFFFF  }
0x42: {  	[sflag:s0] =	ssyncadd.tile.s32 @!p0 $0x1;
	_ =	shalt  }
.Lfunc_end1:
_tile_overlayer_lowered:
.L_overlay_start_2:
0x43: {  	(tag) =	ssettag $0x2  }
0x44: {  	s0 =	rddreg [dreg:$0x0];
	s2 =	stileid.u32  }
0x45: {  	s1 =	rddreg [dreg:$0x1];
	p0 =	sne.s32 s2, $0x0  }
0x46: {  	s3 =	rddreg [dreg:$0x2];
	[bflag:$0x3] =	sbarrier.arrive $0xFFFF;
	s2 =	simm.s32 @!p0 $0x1C01  }
0x47: {  	[timem:s3], [sflag:s2] =	dma.local @!p0 [hbm:s0], s1  }
0x48: {  	s0 =	simm.s32 @!p0 $0x1  }
0x49: {  	_ =	swait.ge @!p0 [sflag:s0], s1  }
0x4a: {  	s1 =	ssub.s32 @!p0 $0x0, s1;
	[sflag:s0] =	ssyncset.done @!p0 $0x0  }
0x4b: {  	[sflag:s0] =	ssyncadd.s32 @!p0 s1  }
0x4c: {  	[bflag:$0x3] =	sbarrier.arrive $0xFFFF  }
0x4d: {  	_ =	shalt  }

</sc_bundles>
